<compile_context>
chip_gen: v7x
topology: tpu7x:2x2x1
jax: 0.10.2.dev20260603
libtpu: 0.0.44.dev20260713+nightly
codegen_flags: <defaults>
</compile_context>

<pallas_src>
import functools

import jax
import jax.numpy as jnp
from jax import lax
from jax.experimental import pallas as pl
from jax.experimental.pallas import tpu as pltpu
from jax.experimental.pallas import tpu_sc as plsc

N = 10000
E = 320000
D = 128
C = 40

NC = 2
NS = 16
NW = NC * NS
EW = E // NW
K = 200
EWP = 10000
EPAD = NW * EWP
NCHUNK = EWP // K
EPW = EWP - EW
NA = N + NS * 8
RW = 624
RTAIL = N - NS * RW
KD = 2000
NDCHUNK = EW // KD

BL = 2000
GRID = N // BL



def _deg_body(col_hbm, z_hbm, o_hbm, out_hbm, cv0, cv1, ds0, ds1,
              ones_v, deg_v, deg_sh):
    c = lax.axis_index("c")
    s = lax.axis_index("s")

    @pl.when(s == 0)
    def _():
        pltpu.sync_copy(z_hbm, deg_v)
        pltpu.sync_copy(deg_v, deg_sh)
    pltpu.sync_copy(o_hbm, ones_v)
    plsc.subcore_barrier()

    ebase = (c * NS + s) * EW

    def cload(i, cv, sem):
        pltpu.async_copy(col_hbm.at[pl.ds(ebase + i * KD, KD)], cv, sem)

    def cwait(i, cv, sem):
        pltpu.make_async_copy(col_hbm.at[pl.ds(ebase + i * KD, KD)],
                              cv, sem).wait()

    cload(0, cv0, ds0)
    for i in range(NDCHUNK):
        cv, sem = (cv0, ds0) if i % 2 == 0 else (cv1, ds1)
        nv, nsem = (cv1, ds1) if i % 2 == 0 else (cv0, ds0)
        cwait(i, cv, sem)
        if i + 1 < NDCHUNK:
            cload(i + 1, nv, nsem)
        pltpu.sync_copy(ones_v, deg_sh.at[cv], add=True)
    plsc.subcore_barrier()

    @pl.when(s == 0)
    def _():
        pltpu.sync_copy(deg_sh, deg_v)
        pltpu.sync_copy(deg_v, out_hbm.at[pl.ds(c * N, N)])


def _make_deg_kernel():
    mesh = plsc.VectorSubcoreMesh(core_axis_name="c", subcore_axis_name="s")
    return pl.kernel(
        _deg_body,
        out_type=jax.ShapeDtypeStruct((NC * N,), jnp.float32),
        mesh=mesh,
        scratch_types=[
            pltpu.VMEM((KD,), jnp.int32),
            pltpu.VMEM((KD,), jnp.int32),
            pltpu.SemaphoreType.DMA,
            pltpu.SemaphoreType.DMA,
            pltpu.VMEM((KD,), jnp.float32),
            pltpu.VMEM((N,), jnp.float32),
            pltpu.VMEM_SHARED((N,), jnp.float32),
        ],
    )


def _scatter_body(g_hbm, row_hbm, col_hbm, z_hbm, out_hbm,
                  ir0, ic0, r0, gs0, ir1, ic1, is0, is1, acc_sh):
    c = lax.axis_index("c")
    s = lax.axis_index("s")
    w = c * NS + s
    nbase = s * RW

    pltpu.sync_copy(z_hbm.at[pl.ds(nbase, RW)], acc_sh.at[pl.ds(nbase, RW)])

    @pl.when(s == 0)
    def _():
        pltpu.sync_copy(z_hbm.at[pl.ds(NS * RW, RTAIL)],
                        acc_sh.at[pl.ds(NS * RW, RTAIL)])

    ebase = w * EWP

    def idx_load(j, ir, ic, isem):
        off = ebase + j * K
        pltpu.async_copy(row_hbm.at[pl.ds(off, K)], ir, isem)
        pltpu.async_copy(col_hbm.at[pl.ds(off, K)], ic, isem)

    def idx_wait(j, ir, ic, isem):
        off = ebase + j * K
        pltpu.make_async_copy(row_hbm.at[pl.ds(off, K)], ir, isem).wait()
        pltpu.make_async_copy(col_hbm.at[pl.ds(off, K)], ic, isem).wait()

    def work(ir, ic):
        pltpu.async_copy(g_hbm.at[ir], r0, gs0).wait()
        pltpu.sync_copy(r0, acc_sh.at[ic], add=True)

    idx_load(0, ir0, ic0, is0)

    def pair(p, carry):
        j0 = 2 * p
        idx_wait(j0, ir0, ic0, is0)
        idx_load(j0 + 1, ir1, ic1, is1)
        work(ir0, ic0)
        idx_wait(j0 + 1, ir1, ic1, is1)
        idx_load(j0 + 2, ir0, ic0, is0)
        work(ir1, ic1)
        return carry

    lax.fori_loop(0, NCHUNK // 2 - 1, pair, 0)

    idx_wait(NCHUNK - 2, ir0, ic0, is0)
    idx_load(NCHUNK - 1, ir1, ic1, is1)
    work(ir0, ic0)
    idx_wait(NCHUNK - 1, ir1, ic1, is1)
    work(ir1, ic1)
    plsc.subcore_barrier()

    pltpu.sync_copy(acc_sh.at[pl.ds(nbase, RW)],
                    out_hbm.at[c, pl.ds(nbase, RW)])

    @pl.when(s == 0)
    def _():
        pltpu.sync_copy(acc_sh.at[pl.ds(NS * RW, RTAIL)],
                        out_hbm.at[c, pl.ds(NS * RW, RTAIL)])


def _make_scatter_kernel():
    mesh = plsc.VectorSubcoreMesh(core_axis_name="c", subcore_axis_name="s")
    return pl.kernel(
        _scatter_body,
        out_type=jax.ShapeDtypeStruct((NC, N, D), jnp.float32),
        mesh=mesh,
        scratch_types=[
            pltpu.VMEM((K,), jnp.int32),
            pltpu.VMEM((K,), jnp.int32),
            pltpu.VMEM((K, D), jnp.float32),
            pltpu.SemaphoreType.DMA,
            pltpu.VMEM((K,), jnp.int32),
            pltpu.VMEM((K,), jnp.int32),
            pltpu.SemaphoreType.DMA,
            pltpu.SemaphoreType.DMA,
            pltpu.VMEM_SHARED((NA, D), jnp.float32),
        ],
    )



def _dotT(a, w):
    return lax.dot_general(a, w, (((1,), (1,)), ((), ())),
                           preferred_element_type=jnp.float32)


def _pre_body(x_ref, w_ref, b_ref, deg_ref, h_ref, g_ref, dis_ref):
    degt = deg_ref[0] + deg_ref[1]
    dis = jnp.where(degt > 0.0, lax.rsqrt(jnp.maximum(degt, 1e-30)), 0.0)
    h = _dotT(x_ref[...], w_ref[...]) + b_ref[...]
    h_ref[...] = h
    g_ref[...] = h * dis
    dis_ref[...] = dis


def _conv_body(s_ref, h_ref, dis_ref, wa_ref, wb_ref, h2_ref, g2_ref):
    dis = dis_ref[...]
    hi = (s_ref[0] + s_ref[1]) * dis
    t = _dotT(hi, wa_ref[...]) + _dotT(h_ref[...], wb_ref[...])
    h2 = jax.nn.gelu(t)
    h2_ref[...] = h2
    g2_ref[...] = h2 * dis


def _final_body(s_ref, h_ref, dis_ref, wa_ref, wb_ref, wc_ref, bc_ref,
                out_ref):
    dis = dis_ref[...]
    hi = (s_ref[0] + s_ref[1]) * dis
    t = _dotT(hi, wa_ref[...]) + _dotT(h_ref[...], wb_ref[...])
    h3 = jax.nn.gelu(t)
    out_ref[...] = _dotT(h3, wc_ref[...]) + bc_ref[...]


_row_spec = pl.BlockSpec((BL, D), lambda i: (i, 0))
_dis_spec = pl.BlockSpec((BL, 1), lambda i: (i, 0))
_s_spec = pl.BlockSpec((NC, BL, D), lambda i: (0, i, 0))
_w_spec = pl.BlockSpec((D, D), lambda i: (0, 0))


def _pre_call(x, w_pre, b_pre2, deg):
    return pl.pallas_call(
        _pre_body,
        grid=(GRID,),
        in_specs=[
            _row_spec,
            _w_spec,
            pl.BlockSpec((1, D), lambda i: (0, 0)),
            pl.BlockSpec((NC, BL, 1), lambda i: (0, i, 0)),
        ],
        out_specs=[_row_spec, _row_spec, _dis_spec],
        out_shape=[
            jax.ShapeDtypeStruct((N, D), jnp.float32),
            jax.ShapeDtypeStruct((N, D), jnp.float32),
            jax.ShapeDtypeStruct((N, 1), jnp.float32),
        ],
    )(x, w_pre, b_pre2, deg)


def _conv_call(s, h, dis, wa, wb):
    return pl.pallas_call(
        _conv_body,
        grid=(GRID,),
        in_specs=[_s_spec, _row_spec, _dis_spec, _w_spec, _w_spec],
        out_specs=[_row_spec, _row_spec],
        out_shape=[
            jax.ShapeDtypeStruct((N, D), jnp.float32),
            jax.ShapeDtypeStruct((N, D), jnp.float32),
        ],
    )(s, h, dis, wa, wb)


def _final_call(s, h, dis, wa, wb, w_cls, b_cls2):
    return pl.pallas_call(
        _final_body,
        grid=(GRID,),
        in_specs=[
            _s_spec, _row_spec, _dis_spec, _w_spec, _w_spec,
            pl.BlockSpec((C, D), lambda i: (0, 0)),
            pl.BlockSpec((1, C), lambda i: (0, 0)),
        ],
        out_specs=pl.BlockSpec((BL, C), lambda i: (i, 0)),
        out_shape=jax.ShapeDtypeStruct((N, C), jnp.float32),
    )(s, h, dis, wa, wb, w_cls, b_cls2)



def kernel(x, edge_index, W_pre, b_pre, W1, W2, W_cls, b_cls):
    row = edge_index[0]
    col = edge_index[1]

    zeros_big = jnp.zeros((N, D), jnp.float32)
    zeros_deg = jnp.zeros((N,), jnp.float32)
    ones_deg = jnp.ones((KD,), jnp.float32)

    deg = _make_deg_kernel()(col, zeros_deg, ones_deg).reshape(NC, N, 1)

    b_pre2 = b_pre.reshape(1, D)
    h, g1, dis = _pre_call(x, W_pre, b_pre2, deg)


    scatter = _make_scatter_kernel()
    s1 = scatter(g1, row, col, zeros_big)

    h2, g2 = _conv_call(s1, h, dis, W1[:, :D], W1[:, D:])

    s2 = scatter(g2, row, col, zeros_big)

    logits = _final_call(s2, h2, dis, W2[:, :D], W2[:, D:],
                         W_cls, b_cls.reshape(1, C))
    return logits

# --- scband reference (transcript-rebuilt; emitter-appended) ---
"""Pipeline reference for scband-graph-ciw-57913339019569 (READ-ONLY COPY).

The authoritative reference and input builder live on the scoring server;
editing this copy changes nothing except your own understanding.
"""

import jax, jax.numpy as jnp
import numpy as np
import math

N = 10000
E = 320000
D_IN = 128
D = 128
C = 40


def setup_inputs(seed: int = 0) -> dict:
    key = jax.random.key(seed)
    ks = jax.random.split(key, 10)
    x = jax.random.normal(ks[0], (N, D_IN), dtype=jnp.float32)
    edge_index = jax.random.randint(ks[1], (2, E), 0, N, dtype=jnp.int32)
    # pre_fc: Linear(d_in, d)
    lim0 = 1.0 / math.sqrt(D_IN)
    W_pre = jax.random.uniform(ks[2], (D, D_IN), minval=-lim0, maxval=lim0, dtype=jnp.float32)
    b_pre = jax.random.uniform(ks[3], (D,), minval=-lim0, maxval=lim0, dtype=jnp.float32)
    # CaNetBasicConv lin: Linear(2*d, d, bias=False), init uniform(-1/sqrt(out), 1/sqrt(out))
    stdv = 1.0 / math.sqrt(D)
    W1 = jax.random.uniform(ks[4], (D, 2 * D), minval=-stdv, maxval=stdv, dtype=jnp.float32)
    W2 = jax.random.uniform(ks[5], (D, 2 * D), minval=-stdv, maxval=stdv, dtype=jnp.float32)
    # classifier: Linear(d, c)
    limc = 1.0 / math.sqrt(D)
    W_cls = jax.random.uniform(ks[6], (C, D), minval=-limc, maxval=limc, dtype=jnp.float32)
    b_cls = jax.random.uniform(ks[7], (C,), minval=-limc, maxval=limc, dtype=jnp.float32)
    return {"x": x, "edge_index": edge_index, "W_pre": W_pre, "b_pre": b_pre,
            "W1": W1, "W2": W2, "W_cls": W_cls, "b_cls": b_cls}


def _canet_conv(h, row, col, W):
    # symmetric normalization based on in-degree (degree of col), as in the torch code
    deg = jnp.zeros((N,), dtype=h.dtype).at[col].add(1.0)
    deg_inv_sqrt = jnp.where(deg > 0, deg ** -0.5, 0.0)
    norm = deg_inv_sqrt[row] * deg_inv_sqrt[col]
    # propagate(aggr='add'): message = norm * x_j (x_j = x[row]), aggregated at col
    hi = jnp.zeros_like(h).at[col].add(norm[:, None] * h[row])
    cat = jnp.concatenate([hi, h], axis=1)
    return cat @ W.T


def reference(x, edge_index, W_pre, b_pre, W1, W2, W_cls, b_cls):
    row = edge_index[0]
    col = edge_index[1]
    h = x @ W_pre.T + b_pre  # pre_fc
    h = jax.nn.gelu(_canet_conv(h, row, col, W1))
    h = jax.nn.gelu(_canet_conv(h, row, col, W2))
    logits = h @ W_cls.T + b_cls
    return logits

if __name__ == "__main__":
    import jax
    _d = setup_inputs()
    print(jax.jit(kernel)(*tuple(_d.values())))

</pallas_src>

<mosaic_0001>
#map = affine_map<(d0, d1) -> (0, 0)>
#map1 = affine_map<(d0, d1) -> (0)>
#map2 = affine_map<(d0, d1) -> (0, 0, 0)>
module attributes {stable_mosaic.version = 14 : i64} {
  func.func @_scatter_body(%arg0: i32, %arg1: i32, %arg2: memref<10000x128xf32, #tpu.memory_space<hbm>>, %arg3: memref<320000xi32, #tpu.memory_space<hbm>>, %arg4: memref<320000xi32, #tpu.memory_space<hbm>>, %arg5: memref<10000x128xf32, #tpu.memory_space<hbm>>, %arg6: memref<2x10000x128xf32, #tpu.memory_space<hbm>>, %arg7: memref<200xi32, #tpu.memory_space<vmem>>, %arg8: memref<200xi32, #tpu.memory_space<vmem>>, %arg9: memref<200x128xf32, #tpu.memory_space<vmem>>, %arg10: memref<!tpu.dma_semaphore, #tpu.memory_space<semaphore_mem>>, %arg11: memref<200xi32, #tpu.memory_space<vmem>>, %arg12: memref<200xi32, #tpu.memory_space<vmem>>, %arg13: memref<!tpu.dma_semaphore, #tpu.memory_space<semaphore_mem>>, %arg14: memref<!tpu.dma_semaphore, #tpu.memory_space<semaphore_mem>>, %arg15: memref<10128x128xf32, #tpu.memory_space<vmem_shared>>) attributes {dimension_semantics = [#tpu.dimension_semantics<core_parallel>, #tpu.dimension_semantics<subcore_parallel>], iteration_bounds = array<i64: 2, 16>, scalar_prefetch = 0 : i64, scratch_operands = 9 : i64, tpu.core_type = #tpu.core_type<sc_vector_subcore>, window_params = [{transform_indices = #map}, {transform_indices = #map1}, {transform_indices = #map1}, {transform_indices = #map}, {transform_indices = #map2}]} {
    %mul3A = arith.constant 16 : i32
    %mul3A_0 = arith.muli %arg0, %mul3A : i32
    %add3A = arith.addi %mul3A_0, %arg1 : i32
    %mul3A_1 = arith.constant 624 : i32
    %mul3A_2 = arith.muli %arg1, %mul3A_1 : i32
    "tpu.region"() ({
      %run_scoped3A = tpu.sem_alloc : memref<!tpu.dma_semaphore, #tpu.memory_space<semaphore_mem>>
      %dma_start3A_51 = arith.constant 0 : i32
      %dma_start3A_52 = tpu.memref_slice %arg15[%mul3A_2, %dma_start3A_51] : memref<10128x128xf32, #tpu.memory_space<vmem_shared>> -> memref<624x128xf32, #tpu.memory_space<vmem_shared>>
      %dma_start3A_53 = arith.constant 0 : i32
      %dma_start3A_54 = tpu.memref_slice %arg5[%mul3A_2, %dma_start3A_53] : memref<10000x128xf32, #tpu.memory_space<hbm>> -> memref<624x128xf32, #tpu.memory_space<hbm>>
      tpu.enqueue_dma source(%dma_start3A_54 : memref<624x128xf32, #tpu.memory_space<hbm>>) target(%dma_start3A_52 : memref<624x128xf32, #tpu.memory_space<vmem_shared>>) target_semaphore(%run_scoped3A : memref<!tpu.dma_semaphore, #tpu.memory_space<semaphore_mem>>)
      %dma_wait3A_55 = arith.constant 0 : i32
      %dma_wait3A_56 = tpu.memref_slice %arg15[%mul3A_2, %dma_wait3A_55] : memref<10128x128xf32, #tpu.memory_space<vmem_shared>> -> memref<624x128xf32, #tpu.memory_space<vmem_shared>>
      %dma_wait3A_57 = arith.constant 0 : i32
      %dma_wait3A_58 = tpu.memref_slice %arg5[%mul3A_2, %dma_wait3A_57] : memref<10000x128xf32, #tpu.memory_space<hbm>> -> memref<624x128xf32, #tpu.memory_space<hbm>>
      tpu.wait_dma2 semaphore(%run_scoped3A : memref<!tpu.dma_semaphore, #tpu.memory_space<semaphore_mem>>) src(%dma_wait3A_58 : memref<624x128xf32, #tpu.memory_space<hbm>>) dst(%dma_wait3A_56 : memref<624x128xf32, #tpu.memory_space<vmem_shared>>)
      tpu.yield
    }) : () -> ()
    %eq3A = arith.constant 0 : i32
    %eq3A_3 = arith.cmpi eq, %arg1, %eq3A : i32
    %convert_element_type3A = arith.extui %eq3A_3 : i1 to i32
    %cond3A = arith.constant 0 : i32
    %cond3A_4 = arith.cmpi ne, %convert_element_type3A, %cond3A : i32
    scf.if %cond3A_4 {
      "tpu.region"() ({
        %run_scoped3A = tpu.sem_alloc : memref<!tpu.dma_semaphore, #tpu.memory_space<semaphore_mem>>
        %dma_start3A_51 = arith.constant 9984 : i32
        %dma_start3A_52 = arith.constant 0 : i32
        %dma_start3A_53 = tpu.memref_slice %arg15[%dma_start3A_51, %dma_start3A_52] : memref<10128x128xf32, #tpu.memory_space<vmem_shared>> -> memref<16x128xf32, #tpu.memory_space<vmem_shared>>
        %dma_start3A_54 = arith.constant 9984 : i32
        %dma_start3A_55 = arith.constant 0 : i32
        %dma_start3A_56 = tpu.memref_slice %arg5[%dma_start3A_54, %dma_start3A_55] : memref<10000x128xf32, #tpu.memory_space<hbm>> -> memref<16x128xf32, #tpu.memory_space<hbm>>
        tpu.enqueue_dma source(%dma_start3A_56 : memref<16x128xf32, #tpu.memory_space<hbm>>) target(%dma_start3A_53 : memref<16x128xf32, #tpu.memory_space<vmem_shared>>) target_semaphore(%run_scoped3A : memref<!tpu.dma_semaphore, #tpu.memory_space<semaphore_mem>>)
        %dma_wait3A_57 = arith.constant 9984 : i32
        %dma_wait3A_58 = arith.constant 0 : i32
        %dma_wait3A_59 = tpu.memref_slice %arg15[%dma_wait3A_57, %dma_wait3A_58] : memref<10128x128xf32, #tpu.memory_space<vmem_shared>> -> memref<16x128xf32, #tpu.memory_space<vmem_shared>>
        %dma_wait3A_60 = arith.constant 9984 : i32
        %dma_wait3A_61 = arith.constant 0 : i32
        %dma_wait3A_62 = tpu.memref_slice %arg5[%dma_wait3A_60, %dma_wait3A_61] : memref<10000x128xf32, #tpu.memory_space<hbm>> -> memref<16x128xf32, #tpu.memory_space<hbm>>
        tpu.wait_dma2 semaphore(%run_scoped3A : memref<!tpu.dma_semaphore, #tpu.memory_space<semaphore_mem>>) src(%dma_wait3A_62 : memref<16x128xf32, #tpu.memory_space<hbm>>) dst(%dma_wait3A_59 : memref<16x128xf32, #tpu.memory_space<vmem_shared>>)
        tpu.yield
      }) : () -> ()
    } else {
    }
    %mul3A_5 = arith.constant 10000 : i32
    %mul3A_6 = arith.muli %add3A, %mul3A_5 : i32
    %add3A_7 = arith.constant 0 : i32
    %add3A_8 = arith.addi %mul3A_6, %add3A_7 : i32
    %dma_start3A = tpu.memref_slice %arg3[%add3A_8] : memref<320000xi32, #tpu.memory_space<hbm>> -> memref<200xi32, #tpu.memory_space<hbm>>
    %dma_start3A_9 = tpu.memref_slice %arg3[%add3A_8] : memref<320000xi32, #tpu.memory_space<hbm>> -> memref<200xi32, #tpu.memory_space<hbm>>
    tpu.enqueue_dma source(%dma_start3A_9 : memref<200xi32, #tpu.memory_space<hbm>>) target(%arg7 : memref<200xi32, #tpu.memory_space<vmem>>) target_semaphore(%arg13 : memref<!tpu.dma_semaphore, #tpu.memory_space<semaphore_mem>>)
    %dma_start3A_10 = tpu.memref_slice %arg4[%add3A_8] : memref<320000xi32, #tpu.memory_space<hbm>> -> memref<200xi32, #tpu.memory_space<hbm>>
    %dma_start3A_11 = tpu.memref_slice %arg4[%add3A_8] : memref<320000xi32, #tpu.memory_space<hbm>> -> memref<200xi32, #tpu.memory_space<hbm>>
    tpu.enqueue_dma source(%dma_start3A_11 : memref<200xi32, #tpu.memory_space<hbm>>) target(%arg8 : memref<200xi32, #tpu.memory_space<vmem>>) target_semaphore(%arg13 : memref<!tpu.dma_semaphore, #tpu.memory_space<semaphore_mem>>)
    %scan3A = arith.constant 0 : i32
    %scan3A_12 = arith.constant 0 : i32
    %scan3A_13 = arith.constant 24 : i32
    %scan3A_14 = arith.addi %scan3A_12, %scan3A_13 : i32
    %scan3A_15 = arith.constant 1 : i32
    scf.for %scan3A_51 = %scan3A_12 to %scan3A_14 step %scan3A_15  : i32 {
      %mul3A_52 = arith.constant 2 : i32
      %mul3A_53 = arith.muli %mul3A_52, %scan3A_51 : i32
      %mul3A_54 = arith.constant 200 : i32
      %mul3A_55 = arith.muli %mul3A_53, %mul3A_54 : i32
      %add3A_56 = arith.addi %mul3A_6, %mul3A_55 : i32
      %dma_wait3A_57 = tpu.memref_slice %arg3[%add3A_56] : memref<320000xi32, #tpu.memory_space<hbm>> -> memref<200xi32, #tpu.memory_space<hbm>>
      %dma_wait3A_58 = tpu.memref_slice %arg3[%add3A_56] : memref<320000xi32, #tpu.memory_space<hbm>> -> memref<200xi32, #tpu.memory_space<hbm>>
      tpu.wait_dma2 semaphore(%arg13 : memref<!tpu.dma_semaphore, #tpu.memory_space<semaphore_mem>>) src(%dma_wait3A_58 : memref<200xi32, #tpu.memory_space<hbm>>) dst(%arg7 : memref<200xi32, #tpu.memory_space<vmem>>)
      %dma_wait3A_59 = tpu.memref_slice %arg4[%add3A_56] : memref<320000xi32, #tpu.memory_space<hbm>> -> memref<200xi32, #tpu.memory_space<hbm>>
      %dma_wait3A_60 = tpu.memref_slice %arg4[%add3A_56] : memref<320000xi32, #tpu.memory_space<hbm>> -> memref<200xi32, #tpu.memory_space<hbm>>
      tpu.wait_dma2 semaphore(%arg13 : memref<!tpu.dma_semaphore, #tpu.memory_space<semaphore_mem>>) src(%dma_wait3A_60 : memref<200xi32, #tpu.memory_space<hbm>>) dst(%arg8 : memref<200xi32, #tpu.memory_space<vmem>>)
      %add3A_61 = arith.constant 1 : i32
      %add3A_62 = arith.addi %mul3A_53, %add3A_61 : i32
      %mul3A_63 = arith.constant 200 : i32
      %mul3A_64 = arith.muli %add3A_62, %mul3A_63 : i32
      %add3A_65 = arith.addi %mul3A_6, %mul3A_64 : i32
      %dma_start3A_66 = tpu.memref_slice %arg3[%add3A_65] : memref<320000xi32, #tpu.memory_space<hbm>> -> memref<200xi32, #tpu.memory_space<hbm>>
      %dma_start3A_67 = tpu.memref_slice %arg3[%add3A_65] : memref<320000xi32, #tpu.memory_space<hbm>> -> memref<200xi32, #tpu.memory_space<hbm>>
      tpu.enqueue_dma source(%dma_start3A_67 : memref<200xi32, #tpu.memory_space<hbm>>) target(%arg11 : memref<200xi32, #tpu.memory_space<vmem>>) target_semaphore(%arg14 : memref<!tpu.dma_semaphore, #tpu.memory_space<semaphore_mem>>)
      %dma_start3A_68 = tpu.memref_slice %arg4[%add3A_65] : memref<320000xi32, #tpu.memory_space<hbm>> -> memref<200xi32, #tpu.memory_space<hbm>>
      %dma_start3A_69 = tpu.memref_slice %arg4[%add3A_65] : memref<320000xi32, #tpu.memory_space<hbm>> -> memref<200xi32, #tpu.memory_space<hbm>>
      tpu.enqueue_dma source(%dma_start3A_69 : memref<200xi32, #tpu.memory_space<hbm>>) target(%arg12 : memref<200xi32, #tpu.memory_space<vmem>>) target_semaphore(%arg14 : memref<!tpu.dma_semaphore, #tpu.memory_space<semaphore_mem>>)
      %dma_start3A_70 = arith.constant 0 : i32
      %dma_start3A_71 = arith.constant 0 : i32
      %dma_start3A_72 = tpu.memref_slice %arg2[%dma_start3A_70, %dma_start3A_71] : memref<10000x128xf32, #tpu.memory_space<hbm>> -> memref<10000x128xf32, #tpu.memory_space<hbm>>
      tpu.enqueue_indirect_dma source(%dma_start3A_72 : memref<10000x128xf32, #tpu.memory_space<hbm>>) target(%arg9 : memref<200x128xf32, #tpu.memory_space<vmem>>) offsets(%arg7 : memref<200xi32, #tpu.memory_space<vmem>>) semaphore(%arg10 : memref<!tpu.dma_semaphore, #tpu.memory_space<semaphore_mem>>)
      %dma_wait3A_73 = arith.constant 0 : i32
      %dma_wait3A_74 = arith.constant 0 : i32
      %dma_wait3A_75 = tpu.memref_slice %arg2[%dma_wait3A_73, %dma_wait3A_74] : memref<10000x128xf32, #tpu.memory_space<hbm>> -> memref<10000x128xf32, #tpu.memory_space<hbm>>
      tpu.wait_indirect_dma semaphore(%arg10 : memref<!tpu.dma_semaphore, #tpu.memory_space<semaphore_mem>>) src(%dma_wait3A_75 : memref<10000x128xf32, #tpu.memory_space<hbm>>) dst(%arg9 : memref<200x128xf32, #tpu.memory_space<vmem>>)
      "tpu.region"() ({
        %run_scoped3A = tpu.sem_alloc : memref<!tpu.dma_semaphore, #tpu.memory_space<semaphore_mem>>
        %dma_start3A_100 = arith.constant 0 : i32
        %dma_start3A_101 = arith.constant 0 : i32
        %dma_start3A_102 = tpu.memref_slice %arg15[%dma_start3A_100, %dma_start3A_101] : memref<10128x128xf32, #tpu.memory_space<vmem_shared>> -> memref<10128x128xf32, #tpu.memory_space<vmem_shared>>
        tpu.enqueue_indirect_dma source(%arg9 : memref<200x128xf32, #tpu.memory_space<vmem>>) target(%dma_start3A_102 : memref<10128x128xf32, #tpu.memory_space<vmem_shared>>) offsets(%arg8 : memref<200xi32, #tpu.memory_space<vmem>>) semaphore(%run_scoped3A : memref<!tpu.dma_semaphore, #tpu.memory_space<semaphore_mem>>) {add = true}
        %dma_wait3A_103 = arith.constant 0 : i32
        %dma_wait3A_104 = arith.constant 0 : i32
        %dma_wait3A_105 = tpu.memref_slice %arg15[%dma_wait3A_103, %dma_wait3A_104] : memref<10128x128xf32, #tpu.memory_space<vmem_shared>> -> memref<10128x128xf32, #tpu.memory_space<vmem_shared>>
        tpu.wait_indirect_dma semaphore(%run_scoped3A : memref<!tpu.dma_semaphore, #tpu.memory_space<semaphore_mem>>) src(%arg9 : memref<200x128xf32, #tpu.memory_space<vmem>>) dst(%dma_wait3A_105 : memref<10128x128xf32, #tpu.memory_space<vmem_shared>>)
        tpu.yield
      }) : () -> ()
      %add3A_76 = arith.constant 1 : i32
      %add3A_77 = arith.addi %mul3A_53, %add3A_76 : i32
      %mul3A_78 = arith.constant 200 : i32
      %mul3A_79 = arith.muli %add3A_77, %mul3A_78 : i32
      %add3A_80 = arith.addi %mul3A_6, %mul3A_79 : i32
      %dma_wait3A_81 = tpu.memref_slice %arg3[%add3A_80] : memref<320000xi32, #tpu.memory_space<hbm>> -> memref<200xi32, #tpu.memory_space<hbm>>
      %dma_wait3A_82 = tpu.memref_slice %arg3[%add3A_80] : memref<320000xi32, #tpu.memory_space<hbm>> -> memref<200xi32, #tpu.memory_space<hbm>>
      tpu.wait_dma2 semaphore(%arg14 : memref<!tpu.dma_semaphore, #tpu.memory_space<semaphore_mem>>) src(%dma_wait3A_82 : memref<200xi32, #tpu.memory_space<hbm>>) dst(%arg11 : memref<200xi32, #tpu.memory_space<vmem>>)
      %dma_wait3A_83 = tpu.memref_slice %arg4[%add3A_80] : memref<320000xi32, #tpu.memory_space<hbm>> -> memref<200xi32, #tpu.memory_space<hbm>>
      %dma_wait3A_84 = tpu.memref_slice %arg4[%add3A_80] : memref<320000xi32, #tpu.memory_space<hbm>> -> memref<200xi32, #tpu.memory_space<hbm>>
      tpu.wait_dma2 semaphore(%arg14 : memref<!tpu.dma_semaphore, #tpu.memory_space<semaphore_mem>>) src(%dma_wait3A_84 : memref<200xi32, #tpu.memory_space<hbm>>) dst(%arg12 : memref<200xi32, #tpu.memory_space<vmem>>)
      %add3A_85 = arith.constant 2 : i32
      %add3A_86 = arith.addi %mul3A_53, %add3A_85 : i32
      %mul3A_87 = arith.constant 200 : i32
      %mul3A_88 = arith.muli %add3A_86, %mul3A_87 : i32
      %add3A_89 = arith.addi %mul3A_6, %mul3A_88 : i32
      %dma_start3A_90 = tpu.memref_slice %arg3[%add3A_89] : memref<320000xi32, #tpu.memory_space<hbm>> -> memref<200xi32, #tpu.memory_space<hbm>>
      %dma_start3A_91 = tpu.memref_slice %arg3[%add3A_89] : memref<320000xi32, #tpu.memory_space<hbm>> -> memref<200xi32, #tpu.memory_space<hbm>>
      tpu.enqueue_dma source(%dma_start3A_91 : memref<200xi32, #tpu.memory_space<hbm>>) target(%arg7 : memref<200xi32, #tpu.memory_space<vmem>>) target_semaphore(%arg13 : memref<!tpu.dma_semaphore, #tpu.memory_space<semaphore_mem>>)
      %dma_start3A_92 = tpu.memref_slice %arg4[%add3A_89] : memref<320000xi32, #tpu.memory_space<hbm>> -> memref<200xi32, #tpu.memory_space<hbm>>
      %dma_start3A_93 = tpu.memref_slice %arg4[%add3A_89] : memref<320000xi32, #tpu.memory_space<hbm>> -> memref<200xi32, #tpu.memory_space<hbm>>
      tpu.enqueue_dma source(%dma_start3A_93 : memref<200xi32, #tpu.memory_space<hbm>>) target(%arg8 : memref<200xi32, #tpu.memory_space<vmem>>) target_semaphore(%arg13 : memref<!tpu.dma_semaphore, #tpu.memory_space<semaphore_mem>>)
      %dma_start3A_94 = arith.constant 0 : i32
      %dma_start3A_95 = arith.constant 0 : i32
      %dma_start3A_96 = tpu.memref_slice %arg2[%dma_start3A_94, %dma_start3A_95] : memref<10000x128xf32, #tpu.memory_space<hbm>> -> memref<10000x128xf32, #tpu.memory_space<hbm>>
      tpu.enqueue_indirect_dma source(%dma_start3A_96 : memref<10000x128xf32, #tpu.memory_space<hbm>>) target(%arg9 : memref<200x128xf32, #tpu.memory_space<vmem>>) offsets(%arg11 : memref<200xi32, #tpu.memory_space<vmem>>) semaphore(%arg10 : memref<!tpu.dma_semaphore, #tpu.memory_space<semaphore_mem>>)
      %dma_wait3A_97 = arith.constant 0 : i32
      %dma_wait3A_98 = arith.constant 0 : i32
      %dma_wait3A_99 = tpu.memref_slice %arg2[%dma_wait3A_97, %dma_wait3A_98] : memref<10000x128xf32, #tpu.memory_space<hbm>> -> memref<10000x128xf32, #tpu.memory_space<hbm>>
      tpu.wait_indirect_dma semaphore(%arg10 : memref<!tpu.dma_semaphore, #tpu.memory_space<semaphore_mem>>) src(%dma_wait3A_99 : memref<10000x128xf32, #tpu.memory_space<hbm>>) dst(%arg9 : memref<200x128xf32, #tpu.memory_space<vmem>>)
      "tpu.region"() ({
        %run_scoped3A = tpu.sem_alloc : memref<!tpu.dma_semaphore, #tpu.memory_space<semaphore_mem>>
        %dma_start3A_100 = arith.constant 0 : i32
        %dma_start3A_101 = arith.constant 0 : i32
        %dma_start3A_102 = tpu.memref_slice %arg15[%dma_start3A_100, %dma_start3A_101] : memref<10128x128xf32, #tpu.memory_space<vmem_shared>> -> memref<10128x128xf32, #tpu.memory_space<vmem_shared>>
        tpu.enqueue_indirect_dma source(%arg9 : memref<200x128xf32, #tpu.memory_space<vmem>>) target(%dma_start3A_102 : memref<10128x128xf32, #tpu.memory_space<vmem_shared>>) offsets(%arg12 : memref<200xi32, #tpu.memory_space<vmem>>) semaphore(%run_scoped3A : memref<!tpu.dma_semaphore, #tpu.memory_space<semaphore_mem>>) {add = true}
        %dma_wait3A_103 = arith.constant 0 : i32
        %dma_wait3A_104 = arith.constant 0 : i32
        %dma_wait3A_105 = tpu.memref_slice %arg15[%dma_wait3A_103, %dma_wait3A_104] : memref<10128x128xf32, #tpu.memory_space<vmem_shared>> -> memref<10128x128xf32, #tpu.memory_space<vmem_shared>>
        tpu.wait_indirect_dma semaphore(%run_scoped3A : memref<!tpu.dma_semaphore, #tpu.memory_space<semaphore_mem>>) src(%arg9 : memref<200x128xf32, #tpu.memory_space<vmem>>) dst(%dma_wait3A_105 : memref<10128x128xf32, #tpu.memory_space<vmem_shared>>)
        tpu.yield
      }) : () -> ()
    }
    %scan3A_16 = arith.constant 24 : i32
    %add3A_17 = arith.constant 9600 : i32
    %add3A_18 = arith.addi %mul3A_6, %add3A_17 : i32
    %dma_wait3A = tpu.memref_slice %arg3[%add3A_18] : memref<320000xi32, #tpu.memory_space<hbm>> -> memref<200xi32, #tpu.memory_space<hbm>>
    %dma_wait3A_19 = tpu.memref_slice %arg3[%add3A_18] : memref<320000xi32, #tpu.memory_space<hbm>> -> memref<200xi32, #tpu.memory_space<hbm>>
    tpu.wait_dma2 semaphore(%arg13 : memref<!tpu.dma_semaphore, #tpu.memory_space<semaphore_mem>>) src(%dma_wait3A_19 : memref<200xi32, #tpu.memory_space<hbm>>) dst(%arg7 : memref<200xi32, #tpu.memory_space<vmem>>)
    %dma_wait3A_20 = tpu.memref_slice %arg4[%add3A_18] : memref<320000xi32, #tpu.memory_space<hbm>> -> memref<200xi32, #tpu.memory_space<hbm>>
    %dma_wait3A_21 = tpu.memref_slice %arg4[%add3A_18] : memref<320000xi32, #tpu.memory_space<hbm>> -> memref<200xi32, #tpu.memory_space<hbm>>
    tpu.wait_dma2 semaphore(%arg13 : memref<!tpu.dma_semaphore, #tpu.memory_space<semaphore_mem>>) src(%dma_wait3A_21 : memref<200xi32, #tpu.memory_space<hbm>>) dst(%arg8 : memref<200xi32, #tpu.memory_space<vmem>>)
    %add3A_22 = arith.constant 9800 : i32
    %add3A_23 = arith.addi %mul3A_6, %add3A_22 : i32
    %dma_start3A_24 = tpu.memref_slice %arg3[%add3A_23] : memref<320000xi32, #tpu.memory_space<hbm>> -> memref<200xi32, #tpu.memory_space<hbm>>
    %dma_start3A_25 = tpu.memref_slice %arg3[%add3A_23] : memref<320000xi32, #tpu.memory_space<hbm>> -> memref<200xi32, #tpu.memory_space<hbm>>
    tpu.enqueue_dma source(%dma_start3A_25 : memref<200xi32, #tpu.memory_space<hbm>>) target(%arg11 : memref<200xi32, #tpu.memory_space<vmem>>) target_semaphore(%arg14 : memref<!tpu.dma_semaphore, #tpu.memory_space<semaphore_mem>>)
    %dma_start3A_26 = tpu.memref_slice %arg4[%add3A_23] : memref<320000xi32, #tpu.memory_space<hbm>> -> memref<200xi32, #tpu.memory_space<hbm>>
    %dma_start3A_27 = tpu.memref_slice %arg4[%add3A_23] : memref<320000xi32, #tpu.memory_space<hbm>> -> memref<200xi32, #tpu.memory_space<hbm>>
    tpu.enqueue_dma source(%dma_start3A_27 : memref<200xi32, #tpu.memory_space<hbm>>) target(%arg12 : memref<200xi32, #tpu.memory_space<vmem>>) target_semaphore(%arg14 : memref<!tpu.dma_semaphore, #tpu.memory_space<semaphore_mem>>)
    %dma_start3A_28 = arith.constant 0 : i32
    %dma_start3A_29 = arith.constant 0 : i32
    %dma_start3A_30 = tpu.memref_slice %arg2[%dma_start3A_28, %dma_start3A_29] : memref<10000x128xf32, #tpu.memory_space<hbm>> -> memref<10000x128xf32, #tpu.memory_space<hbm>>
    tpu.enqueue_indirect_dma source(%dma_start3A_30 : memref<10000x128xf32, #tpu.memory_space<hbm>>) target(%arg9 : memref<200x128xf32, #tpu.memory_space<vmem>>) offsets(%arg7 : memref<200xi32, #tpu.memory_space<vmem>>) semaphore(%arg10 : memref<!tpu.dma_semaphore, #tpu.memory_space<semaphore_mem>>)
    %dma_wait3A_31 = arith.constant 0 : i32
    %dma_wait3A_32 = arith.constant 0 : i32
    %dma_wait3A_33 = tpu.memref_slice %arg2[%dma_wait3A_31, %dma_wait3A_32] : memref<10000x128xf32, #tpu.memory_space<hbm>> -> memref<10000x128xf32, #tpu.memory_space<hbm>>
    tpu.wait_indirect_dma semaphore(%arg10 : memref<!tpu.dma_semaphore, #tpu.memory_space<semaphore_mem>>) src(%dma_wait3A_33 : memref<10000x128xf32, #tpu.memory_space<hbm>>) dst(%arg9 : memref<200x128xf32, #tpu.memory_space<vmem>>)
    "tpu.region"() ({
      %run_scoped3A = tpu.sem_alloc : memref<!tpu.dma_semaphore, #tpu.memory_space<semaphore_mem>>
      %dma_start3A_51 = arith.constant 0 : i32
      %dma_start3A_52 = arith.constant 0 : i32
      %dma_start3A_53 = tpu.memref_slice %arg15[%dma_start3A_51, %dma_start3A_52] : memref<10128x128xf32, #tpu.memory_space<vmem_shared>> -> memref<10128x128xf32, #tpu.memory_space<vmem_shared>>
      tpu.enqueue_indirect_dma source(%arg9 : memref<200x128xf32, #tpu.memory_space<vmem>>) target(%dma_start3A_53 : memref<10128x128xf32, #tpu.memory_space<vmem_shared>>) offsets(%arg8 : memref<200xi32, #tpu.memory_space<vmem>>) semaphore(%run_scoped3A : memref<!tpu.dma_semaphore, #tpu.memory_space<semaphore_mem>>) {add = true}
      %dma_wait3A_54 = arith.constant 0 : i32
      %dma_wait3A_55 = arith.constant 0 : i32
      %dma_wait3A_56 = tpu.memref_slice %arg15[%dma_wait3A_54, %dma_wait3A_55] : memref<10128x128xf32, #tpu.memory_space<vmem_shared>> -> memref<10128x128xf32, #tpu.memory_space<vmem_shared>>
      tpu.wait_indirect_dma semaphore(%run_scoped3A : memref<!tpu.dma_semaphore, #tpu.memory_space<semaphore_mem>>) src(%arg9 : memref<200x128xf32, #tpu.memory_space<vmem>>) dst(%dma_wait3A_56 : memref<10128x128xf32, #tpu.memory_space<vmem_shared>>)
      tpu.yield
    }) : () -> ()
    %add3A_34 = arith.constant 9800 : i32
    %add3A_35 = arith.addi %mul3A_6, %add3A_34 : i32
    %dma_wait3A_36 = tpu.memref_slice %arg3[%add3A_35] : memref<320000xi32, #tpu.memory_space<hbm>> -> memref<200xi32, #tpu.memory_space<hbm>>
    %dma_wait3A_37 = tpu.memref_slice %arg3[%add3A_35] : memref<320000xi32, #tpu.memory_space<hbm>> -> memref<200xi32, #tpu.memory_space<hbm>>
    tpu.wait_dma2 semaphore(%arg14 : memref<!tpu.dma_semaphore, #tpu.memory_space<semaphore_mem>>) src(%dma_wait3A_37 : memref<200xi32, #tpu.memory_space<hbm>>) dst(%arg11 : memref<200xi32, #tpu.memory_space<vmem>>)
    %dma_wait3A_38 = tpu.memref_slice %arg4[%add3A_35] : memref<320000xi32, #tpu.memory_space<hbm>> -> memref<200xi32, #tpu.memory_space<hbm>>
    %dma_wait3A_39 = tpu.memref_slice %arg4[%add3A_35] : memref<320000xi32, #tpu.memory_space<hbm>> -> memref<200xi32, #tpu.memory_space<hbm>>
    tpu.wait_dma2 semaphore(%arg14 : memref<!tpu.dma_semaphore, #tpu.memory_space<semaphore_mem>>) src(%dma_wait3A_39 : memref<200xi32, #tpu.memory_space<hbm>>) dst(%arg12 : memref<200xi32, #tpu.memory_space<vmem>>)
    %dma_start3A_40 = arith.constant 0 : i32
    %dma_start3A_41 = arith.constant 0 : i32
    %dma_start3A_42 = tpu.memref_slice %arg2[%dma_start3A_40, %dma_start3A_41] : memref<10000x128xf32, #tpu.memory_space<hbm>> -> memref<10000x128xf32, #tpu.memory_space<hbm>>
    tpu.enqueue_indirect_dma source(%dma_start3A_42 : memref<10000x128xf32, #tpu.memory_space<hbm>>) target(%arg9 : memref<200x128xf32, #tpu.memory_space<vmem>>) offsets(%arg11 : memref<200xi32, #tpu.memory_space<vmem>>) semaphore(%arg10 : memref<!tpu.dma_semaphore, #tpu.memory_space<semaphore_mem>>)
    %dma_wait3A_43 = arith.constant 0 : i32
    %dma_wait3A_44 = arith.constant 0 : i32
    %dma_wait3A_45 = tpu.memref_slice %arg2[%dma_wait3A_43, %dma_wait3A_44] : memref<10000x128xf32, #tpu.memory_space<hbm>> -> memref<10000x128xf32, #tpu.memory_space<hbm>>
    tpu.wait_indirect_dma semaphore(%arg10 : memref<!tpu.dma_semaphore, #tpu.memory_space<semaphore_mem>>) src(%dma_wait3A_45 : memref<10000x128xf32, #tpu.memory_space<hbm>>) dst(%arg9 : memref<200x128xf32, #tpu.memory_space<vmem>>)
    "tpu.region"() ({
      %run_scoped3A = tpu.sem_alloc : memref<!tpu.dma_semaphore, #tpu.memory_space<semaphore_mem>>
      %dma_start3A_51 = arith.constant 0 : i32
      %dma_start3A_52 = arith.constant 0 : i32
      %dma_start3A_53 = tpu.memref_slice %arg15[%dma_start3A_51, %dma_start3A_52] : memref<10128x128xf32, #tpu.memory_space<vmem_shared>> -> memref<10128x128xf32, #tpu.memory_space<vmem_shared>>
      tpu.enqueue_indirect_dma source(%arg9 : memref<200x128xf32, #tpu.memory_space<vmem>>) target(%dma_start3A_53 : memref<10128x128xf32, #tpu.memory_space<vmem_shared>>) offsets(%arg12 : memref<200xi32, #tpu.memory_space<vmem>>) semaphore(%run_scoped3A : memref<!tpu.dma_semaphore, #tpu.memory_space<semaphore_mem>>) {add = true}
      %dma_wait3A_54 = arith.constant 0 : i32
      %dma_wait3A_55 = arith.constant 0 : i32
      %dma_wait3A_56 = tpu.memref_slice %arg15[%dma_wait3A_54, %dma_wait3A_55] : memref<10128x128xf32, #tpu.memory_space<vmem_shared>> -> memref<10128x128xf32, #tpu.memory_space<vmem_shared>>
      tpu.wait_indirect_dma semaphore(%run_scoped3A : memref<!tpu.dma_semaphore, #tpu.memory_space<semaphore_mem>>) src(%arg9 : memref<200x128xf32, #tpu.memory_space<vmem>>) dst(%dma_wait3A_56 : memref<10128x128xf32, #tpu.memory_space<vmem_shared>>)
      tpu.yield
    }) : () -> ()
    %barrier3A = arith.constant 0 : index
    tpu.barrier barrier_id(%barrier3A)
    "tpu.region"() ({
      %run_scoped3A = tpu.sem_alloc : memref<!tpu.dma_semaphore, #tpu.memory_space<semaphore_mem>>
      %dma_start3A_51 = arith.constant 0 : i32
      %dma_start3A_52 = tpu.memref_slice %arg6[%arg0, %mul3A_2, %dma_start3A_51] : memref<2x10000x128xf32, #tpu.memory_space<hbm>> -> memref<1x624x128xf32, #tpu.memory_space<hbm>>
      %dma_start3A_53 = tpu.memref_squeeze %dma_start3A_52 : memref<1x624x128xf32, #tpu.memory_space<hbm>> -> memref<624x128xf32, #tpu.memory_space<hbm>>
      %dma_start3A_54 = arith.constant 0 : i32
      %dma_start3A_55 = tpu.memref_slice %arg15[%mul3A_2, %dma_start3A_54] : memref<10128x128xf32, #tpu.memory_space<vmem_shared>> -> memref<624x128xf32, #tpu.memory_space<vmem_shared>>
      tpu.enqueue_dma source(%dma_start3A_55 : memref<624x128xf32, #tpu.memory_space<vmem_shared>>) target(%dma_start3A_53 : memref<624x128xf32, #tpu.memory_space<hbm>>) target_semaphore(%run_scoped3A : memref<!tpu.dma_semaphore, #tpu.memory_space<semaphore_mem>>)
      %dma_wait3A_56 = arith.constant 0 : i32
      %dma_wait3A_57 = tpu.memref_slice %arg6[%arg0, %mul3A_2, %dma_wait3A_56] : memref<2x10000x128xf32, #tpu.memory_space<hbm>> -> memref<1x624x128xf32, #tpu.memory_space<hbm>>
      %dma_wait3A_58 = tpu.memref_squeeze %dma_wait3A_57 : memref<1x624x128xf32, #tpu.memory_space<hbm>> -> memref<624x128xf32, #tpu.memory_space<hbm>>
      %dma_wait3A_59 = arith.constant 0 : i32
      %dma_wait3A_60 = tpu.memref_slice %arg15[%mul3A_2, %dma_wait3A_59] : memref<10128x128xf32, #tpu.memory_space<vmem_shared>> -> memref<624x128xf32, #tpu.memory_space<vmem_shared>>
      tpu.wait_dma2 semaphore(%run_scoped3A : memref<!tpu.dma_semaphore, #tpu.memory_space<semaphore_mem>>) src(%dma_wait3A_60 : memref<624x128xf32, #tpu.memory_space<vmem_shared>>) dst(%dma_wait3A_58 : memref<624x128xf32, #tpu.memory_space<hbm>>)
      tpu.yield
    }) : () -> ()
    %eq3A_46 = arith.constant 0 : i32
    %eq3A_47 = arith.cmpi eq, %arg1, %eq3A_46 : i32
    %convert_element_type3A_48 = arith.extui %eq3A_47 : i1 to i32
    %cond3A_49 = arith.constant 0 : i32
    %cond3A_50 = arith.cmpi ne, %convert_element_type3A_48, %cond3A_49 : i32
    scf.if %cond3A_50 {
      "tpu.region"() ({
        %run_scoped3A = tpu.sem_alloc : memref<!tpu.dma_semaphore, #tpu.memory_space<semaphore_mem>>
        %dma_start3A_51 = arith.constant 9984 : i32
        %dma_start3A_52 = arith.constant 0 : i32
        %dma_start3A_53 = tpu.memref_slice %arg6[%arg0, %dma_start3A_51, %dma_start3A_52] : memref<2x10000x128xf32, #tpu.memory_space<hbm>> -> memref<1x16x128xf32, #tpu.memory_space<hbm>>
        %dma_start3A_54 = tpu.memref_squeeze %dma_start3A_53 : memref<1x16x128xf32, #tpu.memory_space<hbm>> -> memref<16x128xf32, #tpu.memory_space<hbm>>
        %dma_start3A_55 = arith.constant 9984 : i32
        %dma_start3A_56 = arith.constant 0 : i32
        %dma_start3A_57 = tpu.memref_slice %arg15[%dma_start3A_55, %dma_start3A_56] : memref<10128x128xf32, #tpu.memory_space<vmem_shared>> -> memref<16x128xf32, #tpu.memory_space<vmem_shared>>
        tpu.enqueue_dma source(%dma_start3A_57 : memref<16x128xf32, #tpu.memory_space<vmem_shared>>) target(%dma_start3A_54 : memref<16x128xf32, #tpu.memory_space<hbm>>) target_semaphore(%run_scoped3A : memref<!tpu.dma_semaphore, #tpu.memory_space<semaphore_mem>>)
        %dma_wait3A_58 = arith.constant 9984 : i32
        %dma_wait3A_59 = arith.constant 0 : i32
        %dma_wait3A_60 = tpu.memref_slice %arg6[%arg0, %dma_wait3A_58, %dma_wait3A_59] : memref<2x10000x128xf32, #tpu.memory_space<hbm>> -> memref<1x16x128xf32, #tpu.memory_space<hbm>>
        %dma_wait3A_61 = tpu.memref_squeeze %dma_wait3A_60 : memref<1x16x128xf32, #tpu.memory_space<hbm>> -> memref<16x128xf32, #tpu.memory_space<hbm>>
        %dma_wait3A_62 = arith.constant 9984 : i32
        %dma_wait3A_63 = arith.constant 0 : i32
        %dma_wait3A_64 = tpu.memref_slice %arg15[%dma_wait3A_62, %dma_wait3A_63] : memref<10128x128xf32, #tpu.memory_space<vmem_shared>> -> memref<16x128xf32, #tpu.memory_space<vmem_shared>>
        tpu.wait_dma2 semaphore(%run_scoped3A : memref<!tpu.dma_semaphore, #tpu.memory_space<semaphore_mem>>) src(%dma_wait3A_64 : memref<16x128xf32, #tpu.memory_space<vmem_shared>>) dst(%dma_wait3A_61 : memref<16x128xf32, #tpu.memory_space<hbm>>)
        tpu.yield
      }) : () -> ()
    } else {
    }
    return
  }
}

#map = affine_map<(d0, d1) -> (0)>
module attributes {stable_mosaic.version = 14 : i64} {
  func.func @_deg_body(%arg0: i32, %arg1: i32, %arg2: memref<320000xi32, #tpu.memory_space<hbm>>, %arg3: memref<10000xf32, #tpu.memory_space<hbm>>, %arg4: memref<2000xf32, #tpu.memory_space<hbm>>, %arg5: memref<20000xf32, #tpu.memory_space<hbm>>, %arg6: memref<2000xi32, #tpu.memory_space<vmem>>, %arg7: memref<2000xi32, #tpu.memory_space<vmem>>, %arg8: memref<!tpu.dma_semaphore, #tpu.memory_space<semaphore_mem>>, %arg9: memref<!tpu.dma_semaphore, #tpu.memory_space<semaphore_mem>>, %arg10: memref<2000xf32, #tpu.memory_space<vmem>>, %arg11: memref<10000xf32, #tpu.memory_space<vmem>>, %arg12: memref<10000xf32, #tpu.memory_space<vmem_shared>>) attributes {dimension_semantics = [#tpu.dimension_semantics<core_parallel>, #tpu.dimension_semantics<subcore_parallel>], iteration_bounds = array<i64: 2, 16>, scalar_prefetch = 0 : i64, scratch_operands = 7 : i64, tpu.core_type = #tpu.core_type<sc_vector_subcore>, window_params = [{transform_indices = #map}, {transform_indices = #map}, {transform_indices = #map}, {transform_indices = #map}]} {
    %eq3A = arith.constant 0 : i32
    %eq3A_0 = arith.cmpi eq, %arg1, %eq3A : i32
    %convert_element_type3A = arith.extui %eq3A_0 : i1 to i32
    %cond3A = arith.constant 0 : i32
    %cond3A_1 = arith.cmpi ne, %convert_element_type3A, %cond3A : i32
    scf.if %cond3A_1 {
      "tpu.region"() ({
        %run_scoped3A = tpu.sem_alloc : memref<!tpu.dma_semaphore, #tpu.memory_space<semaphore_mem>>
        tpu.enqueue_dma source(%arg3 : memref<10000xf32, #tpu.memory_space<hbm>>) target(%arg11 : memref<10000xf32, #tpu.memory_space<vmem>>) target_semaphore(%run_scoped3A : memref<!tpu.dma_semaphore, #tpu.memory_space<semaphore_mem>>)
        tpu.wait_dma2 semaphore(%run_scoped3A : memref<!tpu.dma_semaphore, #tpu.memory_space<semaphore_mem>>) src(%arg3 : memref<10000xf32, #tpu.memory_space<hbm>>) dst(%arg11 : memref<10000xf32, #tpu.memory_space<vmem>>)
        tpu.yield
      }) : () -> ()
      "tpu.region"() ({
        %run_scoped3A = tpu.sem_alloc : memref<!tpu.dma_semaphore, #tpu.memory_space<semaphore_mem>>
        tpu.enqueue_dma source(%arg11 : memref<10000xf32, #tpu.memory_space<vmem>>) target(%arg12 : memref<10000xf32, #tpu.memory_space<vmem_shared>>) target_semaphore(%run_scoped3A : memref<!tpu.dma_semaphore, #tpu.memory_space<semaphore_mem>>)
        tpu.wait_dma2 semaphore(%run_scoped3A : memref<!tpu.dma_semaphore, #tpu.memory_space<semaphore_mem>>) src(%arg11 : memref<10000xf32, #tpu.memory_space<vmem>>) dst(%arg12 : memref<10000xf32, #tpu.memory_space<vmem_shared>>)
        tpu.yield
      }) : () -> ()
    } else {
    }
    "tpu.region"() ({
      %run_scoped3A = tpu.sem_alloc : memref<!tpu.dma_semaphore, #tpu.memory_space<semaphore_mem>>
      tpu.enqueue_dma source(%arg4 : memref<2000xf32, #tpu.memory_space<hbm>>) target(%arg10 : memref<2000xf32, #tpu.memory_space<vmem>>) target_semaphore(%run_scoped3A : memref<!tpu.dma_semaphore, #tpu.memory_space<semaphore_mem>>)
      tpu.wait_dma2 semaphore(%run_scoped3A : memref<!tpu.dma_semaphore, #tpu.memory_space<semaphore_mem>>) src(%arg4 : memref<2000xf32, #tpu.memory_space<hbm>>) dst(%arg10 : memref<2000xf32, #tpu.memory_space<vmem>>)
      tpu.yield
    }) : () -> ()
    %barrier3A = arith.constant 0 : index
    tpu.barrier barrier_id(%barrier3A)
    %mul3A = arith.constant 16 : i32
    %mul3A_2 = arith.muli %arg0, %mul3A : i32
    %add3A = arith.addi %mul3A_2, %arg1 : i32
    %mul3A_3 = arith.constant 10000 : i32
    %mul3A_4 = arith.muli %add3A, %mul3A_3 : i32
    %add3A_5 = arith.constant 0 : i32
    %add3A_6 = arith.addi %mul3A_4, %add3A_5 : i32
    %dma_start3A = tpu.memref_slice %arg2[%add3A_6] : memref<320000xi32, #tpu.memory_space<hbm>> -> memref<2000xi32, #tpu.memory_space<hbm>>
    %dma_start3A_7 = tpu.memref_slice %arg2[%add3A_6] : memref<320000xi32, #tpu.memory_space<hbm>> -> memref<2000xi32, #tpu.memory_space<hbm>>
    tpu.enqueue_dma source(%dma_start3A_7 : memref<2000xi32, #tpu.memory_space<hbm>>) target(%arg6 : memref<2000xi32, #tpu.memory_space<vmem>>) target_semaphore(%arg8 : memref<!tpu.dma_semaphore, #tpu.memory_space<semaphore_mem>>)
    %add3A_8 = arith.constant 0 : i32
    %add3A_9 = arith.addi %mul3A_4, %add3A_8 : i32
    %dma_wait3A = tpu.memref_slice %arg2[%add3A_9] : memref<320000xi32, #tpu.memory_space<hbm>> -> memref<2000xi32, #tpu.memory_space<hbm>>
    %dma_wait3A_10 = tpu.memref_slice %arg2[%add3A_9] : memref<320000xi32, #tpu.memory_space<hbm>> -> memref<2000xi32, #tpu.memory_space<hbm>>
    tpu.wait_dma2 semaphore(%arg8 : memref<!tpu.dma_semaphore, #tpu.memory_space<semaphore_mem>>) src(%dma_wait3A_10 : memref<2000xi32, #tpu.memory_space<hbm>>) dst(%arg6 : memref<2000xi32, #tpu.memory_space<vmem>>)
    %add3A_11 = arith.constant 2000 : i32
    %add3A_12 = arith.addi %mul3A_4, %add3A_11 : i32
    %dma_start3A_13 = tpu.memref_slice %arg2[%add3A_12] : memref<320000xi32, #tpu.memory_space<hbm>> -> memref<2000xi32, #tpu.memory_space<hbm>>
    %dma_start3A_14 = tpu.memref_slice %arg2[%add3A_12] : memref<320000xi32, #tpu.memory_space<hbm>> -> memref<2000xi32, #tpu.memory_space<hbm>>
    tpu.enqueue_dma source(%dma_start3A_14 : memref<2000xi32, #tpu.memory_space<hbm>>) target(%arg7 : memref<2000xi32, #tpu.memory_space<vmem>>) target_semaphore(%arg9 : memref<!tpu.dma_semaphore, #tpu.memory_space<semaphore_mem>>)
    "tpu.region"() ({
      %run_scoped3A = tpu.sem_alloc : memref<!tpu.dma_semaphore, #tpu.memory_space<semaphore_mem>>
      %dma_start3A_49 = arith.constant 0 : i32
      %dma_start3A_50 = tpu.memref_slice %arg12[%dma_start3A_49] : memref<10000xf32, #tpu.memory_space<vmem_shared>> -> memref<10000xf32, #tpu.memory_space<vmem_shared>>
      tpu.enqueue_indirect_dma source(%arg10 : memref<2000xf32, #tpu.memory_space<vmem>>) target(%dma_start3A_50 : memref<10000xf32, #tpu.memory_space<vmem_shared>>) offsets(%arg6 : memref<2000xi32, #tpu.memory_space<vmem>>) semaphore(%run_scoped3A : memref<!tpu.dma_semaphore, #tpu.memory_space<semaphore_mem>>) {add = true}
      %dma_wait3A_51 = arith.constant 0 : i32
      %dma_wait3A_52 = tpu.memref_slice %arg12[%dma_wait3A_51] : memref<10000xf32, #tpu.memory_space<vmem_shared>> -> memref<10000xf32, #tpu.memory_space<vmem_shared>>
      tpu.wait_indirect_dma semaphore(%run_scoped3A : memref<!tpu.dma_semaphore, #tpu.memory_space<semaphore_mem>>) src(%arg10 : memref<2000xf32, #tpu.memory_space<vmem>>) dst(%dma_wait3A_52 : memref<10000xf32, #tpu.memory_space<vmem_shared>>)
      tpu.yield
    }) : () -> ()
    %add3A_15 = arith.constant 2000 : i32
    %add3A_16 = arith.addi %mul3A_4, %add3A_15 : i32
    %dma_wait3A_17 = tpu.memref_slice %arg2[%add3A_16] : memref<320000xi32, #tpu.memory_space<hbm>> -> memref<2000xi32, #tpu.memory_space<hbm>>
    %dma_wait3A_18 = tpu.memref_slice %arg2[%add3A_16] : memref<320000xi32, #tpu.memory_space<hbm>> -> memref<2000xi32, #tpu.memory_space<hbm>>
    tpu.wait_dma2 semaphore(%arg9 : memref<!tpu.dma_semaphore, #tpu.memory_space<semaphore_mem>>) src(%dma_wait3A_18 : memref<2000xi32, #tpu.memory_space<hbm>>) dst(%arg7 : memref<2000xi32, #tpu.memory_space<vmem>>)
    %add3A_19 = arith.constant 4000 : i32
    %add3A_20 = arith.addi %mul3A_4, %add3A_19 : i32
    %dma_start3A_21 = tpu.memref_slice %arg2[%add3A_20] : memref<320000xi32, #tpu.memory_space<hbm>> -> memref<2000xi32, #tpu.memory_space<hbm>>
    %dma_start3A_22 = tpu.memref_slice %arg2[%add3A_20] : memref<320000xi32, #tpu.memory_space<hbm>> -> memref<2000xi32, #tpu.memory_space<hbm>>
    tpu.enqueue_dma source(%dma_start3A_22 : memref<2000xi32, #tpu.memory_space<hbm>>) target(%arg6 : memref<2000xi32, #tpu.memory_space<vmem>>) target_semaphore(%arg8 : memref<!tpu.dma_semaphore, #tpu.memory_space<semaphore_mem>>)
    "tpu.region"() ({
      %run_scoped3A = tpu.sem_alloc : memref<!tpu.dma_semaphore, #tpu.memory_space<semaphore_mem>>
      %dma_start3A_49 = arith.constant 0 : i32
      %dma_start3A_50 = tpu.memref_slice %arg12[%dma_start3A_49] : memref<10000xf32, #tpu.memory_space<vmem_shared>> -> memref<10000xf32, #tpu.memory_space<vmem_shared>>
      tpu.enqueue_indirect_dma source(%arg10 : memref<2000xf32, #tpu.memory_space<vmem>>) target(%dma_start3A_50 : memref<10000xf32, #tpu.memory_space<vmem_shared>>) offsets(%arg7 : memref<2000xi32, #tpu.memory_space<vmem>>) semaphore(%run_scoped3A : memref<!tpu.dma_semaphore, #tpu.memory_space<semaphore_mem>>) {add = true}
      %dma_wait3A_51 = arith.constant 0 : i32
      %dma_wait3A_52 = tpu.memref_slice %arg12[%dma_wait3A_51] : memref<10000xf32, #tpu.memory_space<vmem_shared>> -> memref<10000xf32, #tpu.memory_space<vmem_shared>>
      tpu.wait_indirect_dma semaphore(%run_scoped3A : memref<!tpu.dma_semaphore, #tpu.memory_space<semaphore_mem>>) src(%arg10 : memref<2000xf32, #tpu.memory_space<vmem>>) dst(%dma_wait3A_52 : memref<10000xf32, #tpu.memory_space<vmem_shared>>)
      tpu.yield
    }) : () -> ()
    %add3A_23 = arith.constant 4000 : i32
    %add3A_24 = arith.addi %mul3A_4, %add3A_23 : i32
    %dma_wait3A_25 = tpu.memref_slice %arg2[%add3A_24] : memref<320000xi32, #tpu.memory_space<hbm>> -> memref<2000xi32, #tpu.memory_space<hbm>>
    %dma_wait3A_26 = tpu.memref_slice %arg2[%add3A_24] : memref<320000xi32, #tpu.memory_space<hbm>> -> memref<2000xi32, #tpu.memory_space<hbm>>
    tpu.wait_dma2 semaphore(%arg8 : memref<!tpu.dma_semaphore, #tpu.memory_space<semaphore_mem>>) src(%dma_wait3A_26 : memref<2000xi32, #tpu.memory_space<hbm>>) dst(%arg6 : memref<2000xi32, #tpu.memory_space<vmem>>)
    %add3A_27 = arith.constant 6000 : i32
    %add3A_28 = arith.addi %mul3A_4, %add3A_27 : i32
    %dma_start3A_29 = tpu.memref_slice %arg2[%add3A_28] : memref<320000xi32, #tpu.memory_space<hbm>> -> memref<2000xi32, #tpu.memory_space<hbm>>
    %dma_start3A_30 = tpu.memref_slice %arg2[%add3A_28] : memref<320000xi32, #tpu.memory_space<hbm>> -> memref<2000xi32, #tpu.memory_space<hbm>>
    tpu.enqueue_dma source(%dma_start3A_30 : memref<2000xi32, #tpu.memory_space<hbm>>) target(%arg7 : memref<2000xi32, #tpu.memory_space<vmem>>) target_semaphore(%arg9 : memref<!tpu.dma_semaphore, #tpu.memory_space<semaphore_mem>>)
    "tpu.region"() ({
      %run_scoped3A = tpu.sem_alloc : memref<!tpu.dma_semaphore, #tpu.memory_space<semaphore_mem>>
      %dma_start3A_49 = arith.constant 0 : i32
      %dma_start3A_50 = tpu.memref_slice %arg12[%dma_start3A_49] : memref<10000xf32, #tpu.memory_space<vmem_shared>> -> memref<10000xf32, #tpu.memory_space<vmem_shared>>
      tpu.enqueue_indirect_dma source(%arg10 : memref<2000xf32, #tpu.memory_space<vmem>>) target(%dma_start3A_50 : memref<10000xf32, #tpu.memory_space<vmem_shared>>) offsets(%arg6 : memref<2000xi32, #tpu.memory_space<vmem>>) semaphore(%run_scoped3A : memref<!tpu.dma_semaphore, #tpu.memory_space<semaphore_mem>>) {add = true}
      %dma_wait3A_51 = arith.constant 0 : i32
      %dma_wait3A_52 = tpu.memref_slice %arg12[%dma_wait3A_51] : memref<10000xf32, #tpu.memory_space<vmem_shared>> -> memref<10000xf32, #tpu.memory_space<vmem_shared>>
      tpu.wait_indirect_dma semaphore(%run_scoped3A : memref<!tpu.dma_semaphore, #tpu.memory_space<semaphore_mem>>) src(%arg10 : memref<2000xf32, #tpu.memory_space<vmem>>) dst(%dma_wait3A_52 : memref<10000xf32, #tpu.memory_space<vmem_shared>>)
      tpu.yield
    }) : () -> ()
    %add3A_31 = arith.constant 6000 : i32
    %add3A_32 = arith.addi %mul3A_4, %add3A_31 : i32
    %dma_wait3A_33 = tpu.memref_slice %arg2[%add3A_32] : memref<320000xi32, #tpu.memory_space<hbm>> -> memref<2000xi32, #tpu.memory_space<hbm>>
    %dma_wait3A_34 = tpu.memref_slice %arg2[%add3A_32] : memref<320000xi32, #tpu.memory_space<hbm>> -> memref<2000xi32, #tpu.memory_space<hbm>>
    tpu.wait_dma2 semaphore(%arg9 : memref<!tpu.dma_semaphore, #tpu.memory_space<semaphore_mem>>) src(%dma_wait3A_34 : memref<2000xi32, #tpu.memory_space<hbm>>) dst(%arg7 : memref<2000xi32, #tpu.memory_space<vmem>>)
    %add3A_35 = arith.constant 8000 : i32
    %add3A_36 = arith.addi %mul3A_4, %add3A_35 : i32
    %dma_start3A_37 = tpu.memref_slice %arg2[%add3A_36] : memref<320000xi32, #tpu.memory_space<hbm>> -> memref<2000xi32, #tpu.memory_space<hbm>>
    %dma_start3A_38 = tpu.memref_slice %arg2[%add3A_36] : memref<320000xi32, #tpu.memory_space<hbm>> -> memref<2000xi32, #tpu.memory_space<hbm>>
    tpu.enqueue_dma source(%dma_start3A_38 : memref<2000xi32, #tpu.memory_space<hbm>>) target(%arg6 : memref<2000xi32, #tpu.memory_space<vmem>>) target_semaphore(%arg8 : memref<!tpu.dma_semaphore, #tpu.memory_space<semaphore_mem>>)
    "tpu.region"() ({
      %run_scoped3A = tpu.sem_alloc : memref<!tpu.dma_semaphore, #tpu.memory_space<semaphore_mem>>
      %dma_start3A_49 = arith.constant 0 : i32
      %dma_start3A_50 = tpu.memref_slice %arg12[%dma_start3A_49] : memref<10000xf32, #tpu.memory_space<vmem_shared>> -> memref<10000xf32, #tpu.memory_space<vmem_shared>>
      tpu.enqueue_indirect_dma source(%arg10 : memref<2000xf32, #tpu.memory_space<vmem>>) target(%dma_start3A_50 : memref<10000xf32, #tpu.memory_space<vmem_shared>>) offsets(%arg7 : memref<2000xi32, #tpu.memory_space<vmem>>) semaphore(%run_scoped3A : memref<!tpu.dma_semaphore, #tpu.memory_space<semaphore_mem>>) {add = true}
      %dma_wait3A_51 = arith.constant 0 : i32
      %dma_wait3A_52 = tpu.memref_slice %arg12[%dma_wait3A_51] : memref<10000xf32, #tpu.memory_space<vmem_shared>> -> memref<10000xf32, #tpu.memory_space<vmem_shared>>
      tpu.wait_indirect_dma semaphore(%run_scoped3A : memref<!tpu.dma_semaphore, #tpu.memory_space<semaphore_mem>>) src(%arg10 : memref<2000xf32, #tpu.memory_space<vmem>>) dst(%dma_wait3A_52 : memref<10000xf32, #tpu.memory_space<vmem_shared>>)
      tpu.yield
    }) : () -> ()
    %add3A_39 = arith.constant 8000 : i32
    %add3A_40 = arith.addi %mul3A_4, %add3A_39 : i32
    %dma_wait3A_41 = tpu.memref_slice %arg2[%add3A_40] : memref<320000xi32, #tpu.memory_space<hbm>> -> memref<2000xi32, #tpu.memory_space<hbm>>
    %dma_wait3A_42 = tpu.memref_slice %arg2[%add3A_40] : memref<320000xi32, #tpu.memory_space<hbm>> -> memref<2000xi32, #tpu.memory_space<hbm>>
    tpu.wait_dma2 semaphore(%arg8 : memref<!tpu.dma_semaphore, #tpu.memory_space<semaphore_mem>>) src(%dma_wait3A_42 : memref<2000xi32, #tpu.memory_space<hbm>>) dst(%arg6 : memref<2000xi32, #tpu.memory_space<vmem>>)
    "tpu.region"() ({
      %run_scoped3A = tpu.sem_alloc : memref<!tpu.dma_semaphore, #tpu.memory_space<semaphore_mem>>
      %dma_start3A_49 = arith.constant 0 : i32
      %dma_start3A_50 = tpu.memref_slice %arg12[%dma_start3A_49] : memref<10000xf32, #tpu.memory_space<vmem_shared>> -> memref<10000xf32, #tpu.memory_space<vmem_shared>>
      tpu.enqueue_indirect_dma source(%arg10 : memref<2000xf32, #tpu.memory_space<vmem>>) target(%dma_start3A_50 : memref<10000xf32, #tpu.memory_space<vmem_shared>>) offsets(%arg6 : memref<2000xi32, #tpu.memory_space<vmem>>) semaphore(%run_scoped3A : memref<!tpu.dma_semaphore, #tpu.memory_space<semaphore_mem>>) {add = true}
      %dma_wait3A_51 = arith.constant 0 : i32
      %dma_wait3A_52 = tpu.memref_slice %arg12[%dma_wait3A_51] : memref<10000xf32, #tpu.memory_space<vmem_shared>> -> memref<10000xf32, #tpu.memory_space<vmem_shared>>
      tpu.wait_indirect_dma semaphore(%run_scoped3A : memref<!tpu.dma_semaphore, #tpu.memory_space<semaphore_mem>>) src(%arg10 : memref<2000xf32, #tpu.memory_space<vmem>>) dst(%dma_wait3A_52 : memref<10000xf32, #tpu.memory_space<vmem_shared>>)
      tpu.yield
    }) : () -> ()
    %barrier3A_43 = arith.constant 0 : index
    tpu.barrier barrier_id(%barrier3A_43)
    %eq3A_44 = arith.constant 0 : i32
    %eq3A_45 = arith.cmpi eq, %arg1, %eq3A_44 : i32
    %convert_element_type3A_46 = arith.extui %eq3A_45 : i1 to i32
    %cond3A_47 = arith.constant 0 : i32
    %cond3A_48 = arith.cmpi ne, %convert_element_type3A_46, %cond3A_47 : i32
    scf.if %cond3A_48 {
      "tpu.region"() ({
        %run_scoped3A = tpu.sem_alloc : memref<!tpu.dma_semaphore, #tpu.memory_space<semaphore_mem>>
        tpu.enqueue_dma source(%arg12 : memref<10000xf32, #tpu.memory_space<vmem_shared>>) target(%arg11 : memref<10000xf32, #tpu.memory_space<vmem>>) target_semaphore(%run_scoped3A : memref<!tpu.dma_semaphore, #tpu.memory_space<semaphore_mem>>)
        tpu.wait_dma2 semaphore(%run_scoped3A : memref<!tpu.dma_semaphore, #tpu.memory_space<semaphore_mem>>) src(%arg12 : memref<10000xf32, #tpu.memory_space<vmem_shared>>) dst(%arg11 : memref<10000xf32, #tpu.memory_space<vmem>>)
        tpu.yield
      }) : () -> ()
      %mul3A_49 = arith.constant 10000 : i32
      %mul3A_50 = arith.muli %arg0, %mul3A_49 : i32
      "tpu.region"() ({
        %run_scoped3A = tpu.sem_alloc : memref<!tpu.dma_semaphore, #tpu.memory_space<semaphore_mem>>
        %dma_start3A_51 = tpu.memref_slice %arg5[%mul3A_50] : memref<20000xf32, #tpu.memory_space<hbm>> -> memref<10000xf32, #tpu.memory_space<hbm>>
        %dma_start3A_52 = tpu.memref_slice %arg5[%mul3A_50] : memref<20000xf32, #tpu.memory_space<hbm>> -> memref<10000xf32, #tpu.memory_space<hbm>>
        tpu.enqueue_dma source(%arg11 : memref<10000xf32, #tpu.memory_space<vmem>>) target(%dma_start3A_52 : memref<10000xf32, #tpu.memory_space<hbm>>) target_semaphore(%run_scoped3A : memref<!tpu.dma_semaphore, #tpu.memory_space<semaphore_mem>>)
        %dma_wait3A_53 = tpu.memref_slice %arg5[%mul3A_50] : memref<20000xf32, #tpu.memory_space<hbm>> -> memref<10000xf32, #tpu.memory_space<hbm>>
        %dma_wait3A_54 = tpu.memref_slice %arg5[%mul3A_50] : memref<20000xf32, #tpu.memory_space<hbm>> -> memref<10000xf32, #tpu.memory_space<hbm>>
        tpu.wait_dma2 semaphore(%run_scoped3A : memref<!tpu.dma_semaphore, #tpu.memory_space<semaphore_mem>>) src(%arg11 : memref<10000xf32, #tpu.memory_space<vmem>>) dst(%dma_wait3A_54 : memref<10000xf32, #tpu.memory_space<hbm>>)
        tpu.yield
      }) : () -> ()
    } else {
    }
    return
  }
}

#map = affine_map<(d0, d1) -> (0, 0)>
#map1 = affine_map<(d0, d1) -> (0)>
#map2 = affine_map<(d0, d1) -> (0, 0, 0)>
module attributes {stable_mosaic.version = 14 : i64} {
  func.func @_scatter_body(%arg0: i32, %arg1: i32, %arg2: memref<10000x128xf32, #tpu.memory_space<hbm>>, %arg3: memref<320000xi32, #tpu.memory_space<hbm>>, %arg4: memref<320000xi32, #tpu.memory_space<hbm>>, %arg5: memref<10000x128xf32, #tpu.memory_space<hbm>>, %arg6: memref<2x10000x128xf32, #tpu.memory_space<hbm>>, %arg7: memref<200xi32, #tpu.memory_space<vmem>>, %arg8: memref<200xi32, #tpu.memory_space<vmem>>, %arg9: memref<200x128xf32, #tpu.memory_space<vmem>>, %arg10: memref<!tpu.dma_semaphore, #tpu.memory_space<semaphore_mem>>, %arg11: memref<200xi32, #tpu.memory_space<vmem>>, %arg12: memref<200xi32, #tpu.memory_space<vmem>>, %arg13: memref<!tpu.dma_semaphore, #tpu.memory_space<semaphore_mem>>, %arg14: memref<!tpu.dma_semaphore, #tpu.memory_space<semaphore_mem>>, %arg15: memref<10128x128xf32, #tpu.memory_space<vmem_shared>>) attributes {dimension_semantics = [#tpu.dimension_semantics<core_parallel>, #tpu.dimension_semantics<subcore_parallel>], iteration_bounds = array<i64: 2, 16>, scalar_prefetch = 0 : i64, scratch_operands = 9 : i64, tpu.core_type = #tpu.core_type<sc_vector_subcore>, window_params = [{transform_indices = #map}, {transform_indices = #map1}, {transform_indices = #map1}, {transform_indices = #map}, {transform_indices = #map2}]} {
    %mul3A = arith.constant 16 : i32
    %mul3A_0 = arith.muli %arg0, %mul3A : i32
    %add3A = arith.addi %mul3A_0, %arg1 : i32
    %mul3A_1 = arith.constant 624 : i32
    %mul3A_2 = arith.muli %arg1, %mul3A_1 : i32
    "tpu.region"() ({
      %run_scoped3A = tpu.sem_alloc : memref<!tpu.dma_semaphore, #tpu.memory_space<semaphore_mem>>
      %dma_start3A_51 = arith.constant 0 : i32
      %dma_start3A_52 = tpu.memref_slice %arg15[%mul3A_2, %dma_start3A_51] : memref<10128x128xf32, #tpu.memory_space<vmem_shared>> -> memref<624x128xf32, #tpu.memory_space<vmem_shared>>
      %dma_start3A_53 = arith.constant 0 : i32
      %dma_start3A_54 = tpu.memref_slice %arg5[%mul3A_2, %dma_start3A_53] : memref<10000x128xf32, #tpu.memory_space<hbm>> -> memref<624x128xf32, #tpu.memory_space<hbm>>
      tpu.enqueue_dma source(%dma_start3A_54 : memref<624x128xf32, #tpu.memory_space<hbm>>) target(%dma_start3A_52 : memref<624x128xf32, #tpu.memory_space<vmem_shared>>) target_semaphore(%run_scoped3A : memref<!tpu.dma_semaphore, #tpu.memory_space<semaphore_mem>>)
      %dma_wait3A_55 = arith.constant 0 : i32
      %dma_wait3A_56 = tpu.memref_slice %arg15[%mul3A_2, %dma_wait3A_55] : memref<10128x128xf32, #tpu.memory_space<vmem_shared>> -> memref<624x128xf32, #tpu.memory_space<vmem_shared>>
      %dma_wait3A_57 = arith.constant 0 : i32
      %dma_wait3A_58 = tpu.memref_slice %arg5[%mul3A_2, %dma_wait3A_57] : memref<10000x128xf32, #tpu.memory_space<hbm>> -> memref<624x128xf32, #tpu.memory_space<hbm>>
      tpu.wait_dma2 semaphore(%run_scoped3A : memref<!tpu.dma_semaphore, #tpu.memory_space<semaphore_mem>>) src(%dma_wait3A_58 : memref<624x128xf32, #tpu.memory_space<hbm>>) dst(%dma_wait3A_56 : memref<624x128xf32, #tpu.memory_space<vmem_shared>>)
      tpu.yield
    }) : () -> ()
    %eq3A = arith.constant 0 : i32
    %eq3A_3 = arith.cmpi eq, %arg1, %eq3A : i32
    %convert_element_type3A = arith.extui %eq3A_3 : i1 to i32
    %cond3A = arith.constant 0 : i32
    %cond3A_4 = arith.cmpi ne, %convert_element_type3A, %cond3A : i32
    scf.if %cond3A_4 {
      "tpu.region"() ({
        %run_scoped3A = tpu.sem_alloc : memref<!tpu.dma_semaphore, #tpu.memory_space<semaphore_mem>>
        %dma_start3A_51 = arith.constant 9984 : i32
        %dma_start3A_52 = arith.constant 0 : i32
        %dma_start3A_53 = tpu.memref_slice %arg15[%dma_start3A_51, %dma_start3A_52] : memref<10128x128xf32, #tpu.memory_space<vmem_shared>> -> memref<16x128xf32, #tpu.memory_space<vmem_shared>>
        %dma_start3A_54 = arith.constant 9984 : i32
        %dma_start3A_55 = arith.constant 0 : i32
        %dma_start3A_56 = tpu.memref_slice %arg5[%dma_start3A_54, %dma_start3A_55] : memref<10000x128xf32, #tpu.memory_space<hbm>> -> memref<16x128xf32, #tpu.memory_space<hbm>>
        tpu.enqueue_dma source(%dma_start3A_56 : memref<16x128xf32, #tpu.memory_space<hbm>>) target(%dma_start3A_53 : memref<16x128xf32, #tpu.memory_space<vmem_shared>>) target_semaphore(%run_scoped3A : memref<!tpu.dma_semaphore, #tpu.memory_space<semaphore_mem>>)
        %dma_wait3A_57 = arith.constant 9984 : i32
        %dma_wait3A_58 = arith.constant 0 : i32
        %dma_wait3A_59 = tpu.memref_slice %arg15[%dma_wait3A_57, %dma_wait3A_58] : memref<10128x128xf32, #tpu.memory_space<vmem_shared>> -> memref<16x128xf32, #tpu.memory_space<vmem_shared>>
        %dma_wait3A_60 = arith.constant 9984 : i32
        %dma_wait3A_61 = arith.constant 0 : i32
        %dma_wait3A_62 = tpu.memref_slice %arg5[%dma_wait3A_60, %dma_wait3A_61] : memref<10000x128xf32, #tpu.memory_space<hbm>> -> memref<16x128xf32, #tpu.memory_space<hbm>>
        tpu.wait_dma2 semaphore(%run_scoped3A : memref<!tpu.dma_semaphore, #tpu.memory_space<semaphore_mem>>) src(%dma_wait3A_62 : memref<16x128xf32, #tpu.memory_space<hbm>>) dst(%dma_wait3A_59 : memref<16x128xf32, #tpu.memory_space<vmem_shared>>)
        tpu.yield
      }) : () -> ()
    } else {
    }
    %mul3A_5 = arith.constant 10000 : i32
    %mul3A_6 = arith.muli %add3A, %mul3A_5 : i32
    %add3A_7 = arith.constant 0 : i32
    %add3A_8 = arith.addi %mul3A_6, %add3A_7 : i32
    %dma_start3A = tpu.memref_slice %arg3[%add3A_8] : memref<320000xi32, #tpu.memory_space<hbm>> -> memref<200xi32, #tpu.memory_space<hbm>>
    %dma_start3A_9 = tpu.memref_slice %arg3[%add3A_8] : memref<320000xi32, #tpu.memory_space<hbm>> -> memref<200xi32, #tpu.memory_space<hbm>>
    tpu.enqueue_dma source(%dma_start3A_9 : memref<200xi32, #tpu.memory_space<hbm>>) target(%arg7 : memref<200xi32, #tpu.memory_space<vmem>>) target_semaphore(%arg13 : memref<!tpu.dma_semaphore, #tpu.memory_space<semaphore_mem>>)
    %dma_start3A_10 = tpu.memref_slice %arg4[%add3A_8] : memref<320000xi32, #tpu.memory_space<hbm>> -> memref<200xi32, #tpu.memory_space<hbm>>
    %dma_start3A_11 = tpu.memref_slice %arg4[%add3A_8] : memref<320000xi32, #tpu.memory_space<hbm>> -> memref<200xi32, #tpu.memory_space<hbm>>
    tpu.enqueue_dma source(%dma_start3A_11 : memref<200xi32, #tpu.memory_space<hbm>>) target(%arg8 : memref<200xi32, #tpu.memory_space<vmem>>) target_semaphore(%arg13 : memref<!tpu.dma_semaphore, #tpu.memory_space<semaphore_mem>>)
    %scan3A = arith.constant 0 : i32
    %scan3A_12 = arith.constant 0 : i32
    %scan3A_13 = arith.constant 24 : i32
    %scan3A_14 = arith.addi %scan3A_12, %scan3A_13 : i32
    %scan3A_15 = arith.constant 1 : i32
    scf.for %scan3A_51 = %scan3A_12 to %scan3A_14 step %scan3A_15  : i32 {
      %mul3A_52 = arith.constant 2 : i32
      %mul3A_53 = arith.muli %mul3A_52, %scan3A_51 : i32
      %mul3A_54 = arith.constant 200 : i32
      %mul3A_55 = arith.muli %mul3A_53, %mul3A_54 : i32
      %add3A_56 = arith.addi %mul3A_6, %mul3A_55 : i32
      %dma_wait3A_57 = tpu.memref_slice %arg3[%add3A_56] : memref<320000xi32, #tpu.memory_space<hbm>> -> memref<200xi32, #tpu.memory_space<hbm>>
      %dma_wait3A_58 = tpu.memref_slice %arg3[%add3A_56] : memref<320000xi32, #tpu.memory_space<hbm>> -> memref<200xi32, #tpu.memory_space<hbm>>
      tpu.wait_dma2 semaphore(%arg13 : memref<!tpu.dma_semaphore, #tpu.memory_space<semaphore_mem>>) src(%dma_wait3A_58 : memref<200xi32, #tpu.memory_space<hbm>>) dst(%arg7 : memref<200xi32, #tpu.memory_space<vmem>>)
      %dma_wait3A_59 = tpu.memref_slice %arg4[%add3A_56] : memref<320000xi32, #tpu.memory_space<hbm>> -> memref<200xi32, #tpu.memory_space<hbm>>
      %dma_wait3A_60 = tpu.memref_slice %arg4[%add3A_56] : memref<320000xi32, #tpu.memory_space<hbm>> -> memref<200xi32, #tpu.memory_space<hbm>>
      tpu.wait_dma2 semaphore(%arg13 : memref<!tpu.dma_semaphore, #tpu.memory_space<semaphore_mem>>) src(%dma_wait3A_60 : memref<200xi32, #tpu.memory_space<hbm>>) dst(%arg8 : memref<200xi32, #tpu.memory_space<vmem>>)
      %add3A_61 = arith.constant 1 : i32
      %add3A_62 = arith.addi %mul3A_53, %add3A_61 : i32
      %mul3A_63 = arith.constant 200 : i32
      %mul3A_64 = arith.muli %add3A_62, %mul3A_63 : i32
      %add3A_65 = arith.addi %mul3A_6, %mul3A_64 : i32
      %dma_start3A_66 = tpu.memref_slice %arg3[%add3A_65] : memref<320000xi32, #tpu.memory_space<hbm>> -> memref<200xi32, #tpu.memory_space<hbm>>
      %dma_start3A_67 = tpu.memref_slice %arg3[%add3A_65] : memref<320000xi32, #tpu.memory_space<hbm>> -> memref<200xi32, #tpu.memory_space<hbm>>
      tpu.enqueue_dma source(%dma_start3A_67 : memref<200xi32, #tpu.memory_space<hbm>>) target(%arg11 : memref<200xi32, #tpu.memory_space<vmem>>) target_semaphore(%arg14 : memref<!tpu.dma_semaphore, #tpu.memory_space<semaphore_mem>>)
      %dma_start3A_68 = tpu.memref_slice %arg4[%add3A_65] : memref<320000xi32, #tpu.memory_space<hbm>> -> memref<200xi32, #tpu.memory_space<hbm>>
      %dma_start3A_69 = tpu.memref_slice %arg4[%add3A_65] : memref<320000xi32, #tpu.memory_space<hbm>> -> memref<200xi32, #tpu.memory_space<hbm>>
      tpu.enqueue_dma source(%dma_start3A_69 : memref<200xi32, #tpu.memory_space<hbm>>) target(%arg12 : memref<200xi32, #tpu.memory_space<vmem>>) target_semaphore(%arg14 : memref<!tpu.dma_semaphore, #tpu.memory_space<semaphore_mem>>)
      %dma_start3A_70 = arith.constant 0 : i32
      %dma_start3A_71 = arith.constant 0 : i32
      %dma_start3A_72 = tpu.memref_slice %arg2[%dma_start3A_70, %dma_start3A_71] : memref<10000x128xf32, #tpu.memory_space<hbm>> -> memref<10000x128xf32, #tpu.memory_space<hbm>>
      tpu.enqueue_indirect_dma source(%dma_start3A_72 : memref<10000x128xf32, #tpu.memory_space<hbm>>) target(%arg9 : memref<200x128xf32, #tpu.memory_space<vmem>>) offsets(%arg7 : memref<200xi32, #tpu.memory_space<vmem>>) semaphore(%arg10 : memref<!tpu.dma_semaphore, #tpu.memory_space<semaphore_mem>>)
      %dma_wait3A_73 = arith.constant 0 : i32
      %dma_wait3A_74 = arith.constant 0 : i32
      %dma_wait3A_75 = tpu.memref_slice %arg2[%dma_wait3A_73, %dma_wait3A_74] : memref<10000x128xf32, #tpu.memory_space<hbm>> -> memref<10000x128xf32, #tpu.memory_space<hbm>>
      tpu.wait_indirect_dma semaphore(%arg10 : memref<!tpu.dma_semaphore, #tpu.memory_space<semaphore_mem>>) src(%dma_wait3A_75 : memref<10000x128xf32, #tpu.memory_space<hbm>>) dst(%arg9 : memref<200x128xf32, #tpu.memory_space<vmem>>)
      "tpu.region"() ({
        %run_scoped3A = tpu.sem_alloc : memref<!tpu.dma_semaphore, #tpu.memory_space<semaphore_mem>>
        %dma_start3A_100 = arith.constant 0 : i32
        %dma_start3A_101 = arith.constant 0 : i32
        %dma_start3A_102 = tpu.memref_slice %arg15[%dma_start3A_100, %dma_start3A_101] : memref<10128x128xf32, #tpu.memory_space<vmem_shared>> -> memref<10128x128xf32, #tpu.memory_space<vmem_shared>>
        tpu.enqueue_indirect_dma source(%arg9 : memref<200x128xf32, #tpu.memory_space<vmem>>) target(%dma_start3A_102 : memref<10128x128xf32, #tpu.memory_space<vmem_shared>>) offsets(%arg8 : memref<200xi32, #tpu.memory_space<vmem>>) semaphore(%run_scoped3A : memref<!tpu.dma_semaphore, #tpu.memory_space<semaphore_mem>>) {add = true}
        %dma_wait3A_103 = arith.constant 0 : i32
        %dma_wait3A_104 = arith.constant 0 : i32
        %dma_wait3A_105 = tpu.memref_slice %arg15[%dma_wait3A_103, %dma_wait3A_104] : memref<10128x128xf32, #tpu.memory_space<vmem_shared>> -> memref<10128x128xf32, #tpu.memory_space<vmem_shared>>
        tpu.wait_indirect_dma semaphore(%run_scoped3A : memref<!tpu.dma_semaphore, #tpu.memory_space<semaphore_mem>>) src(%arg9 : memref<200x128xf32, #tpu.memory_space<vmem>>) dst(%dma_wait3A_105 : memref<10128x128xf32, #tpu.memory_space<vmem_shared>>)
        tpu.yield
      }) : () -> ()
      %add3A_76 = arith.constant 1 : i32
      %add3A_77 = arith.addi %mul3A_53, %add3A_76 : i32
      %mul3A_78 = arith.constant 200 : i32
      %mul3A_79 = arith.muli %add3A_77, %mul3A_78 : i32
      %add3A_80 = arith.addi %mul3A_6, %mul3A_79 : i32
      %dma_wait3A_81 = tpu.memref_slice %arg3[%add3A_80] : memref<320000xi32, #tpu.memory_space<hbm>> -> memref<200xi32, #tpu.memory_space<hbm>>
      %dma_wait3A_82 = tpu.memref_slice %arg3[%add3A_80] : memref<320000xi32, #tpu.memory_space<hbm>> -> memref<200xi32, #tpu.memory_space<hbm>>
      tpu.wait_dma2 semaphore(%arg14 : memref<!tpu.dma_semaphore, #tpu.memory_space<semaphore_mem>>) src(%dma_wait3A_82 : memref<200xi32, #tpu.memory_space<hbm>>) dst(%arg11 : memref<200xi32, #tpu.memory_space<vmem>>)
      %dma_wait3A_83 = tpu.memref_slice %arg4[%add3A_80] : memref<320000xi32, #tpu.memory_space<hbm>> -> memref<200xi32, #tpu.memory_space<hbm>>
      %dma_wait3A_84 = tpu.memref_slice %arg4[%add3A_80] : memref<320000xi32, #tpu.memory_space<hbm>> -> memref<200xi32, #tpu.memory_space<hbm>>
      tpu.wait_dma2 semaphore(%arg14 : memref<!tpu.dma_semaphore, #tpu.memory_space<semaphore_mem>>) src(%dma_wait3A_84 : memref<200xi32, #tpu.memory_space<hbm>>) dst(%arg12 : memref<200xi32, #tpu.memory_space<vmem>>)
      %add3A_85 = arith.constant 2 : i32
      %add3A_86 = arith.addi %mul3A_53, %add3A_85 : i32
      %mul3A_87 = arith.constant 200 : i32
      %mul3A_88 = arith.muli %add3A_86, %mul3A_87 : i32
      %add3A_89 = arith.addi %mul3A_6, %mul3A_88 : i32
      %dma_start3A_90 = tpu.memref_slice %arg3[%add3A_89] : memref<320000xi32, #tpu.memory_space<hbm>> -> memref<200xi32, #tpu.memory_space<hbm>>
      %dma_start3A_91 = tpu.memref_slice %arg3[%add3A_89] : memref<320000xi32, #tpu.memory_space<hbm>> -> memref<200xi32, #tpu.memory_space<hbm>>
      tpu.enqueue_dma source(%dma_start3A_91 : memref<200xi32, #tpu.memory_space<hbm>>) target(%arg7 : memref<200xi32, #tpu.memory_space<vmem>>) target_semaphore(%arg13 : memref<!tpu.dma_semaphore, #tpu.memory_space<semaphore_mem>>)
      %dma_start3A_92 = tpu.memref_slice %arg4[%add3A_89] : memref<320000xi32, #tpu.memory_space<hbm>> -> memref<200xi32, #tpu.memory_space<hbm>>
      %dma_start3A_93 = tpu.memref_slice %arg4[%add3A_89] : memref<320000xi32, #tpu.memory_space<hbm>> -> memref<200xi32, #tpu.memory_space<hbm>>
      tpu.enqueue_dma source(%dma_start3A_93 : memref<200xi32, #tpu.memory_space<hbm>>) target(%arg8 : memref<200xi32, #tpu.memory_space<vmem>>) target_semaphore(%arg13 : memref<!tpu.dma_semaphore, #tpu.memory_space<semaphore_mem>>)
      %dma_start3A_94 = arith.constant 0 : i32
      %dma_start3A_95 = arith.constant 0 : i32
      %dma_start3A_96 = tpu.memref_slice %arg2[%dma_start3A_94, %dma_start3A_95] : memref<10000x128xf32, #tpu.memory_space<hbm>> -> memref<10000x128xf32, #tpu.memory_space<hbm>>
      tpu.enqueue_indirect_dma source(%dma_start3A_96 : memref<10000x128xf32, #tpu.memory_space<hbm>>) target(%arg9 : memref<200x128xf32, #tpu.memory_space<vmem>>) offsets(%arg11 : memref<200xi32, #tpu.memory_space<vmem>>) semaphore(%arg10 : memref<!tpu.dma_semaphore, #tpu.memory_space<semaphore_mem>>)
      %dma_wait3A_97 = arith.constant 0 : i32
      %dma_wait3A_98 = arith.constant 0 : i32
      %dma_wait3A_99 = tpu.memref_slice %arg2[%dma_wait3A_97, %dma_wait3A_98] : memref<10000x128xf32, #tpu.memory_space<hbm>> -> memref<10000x128xf32, #tpu.memory_space<hbm>>
      tpu.wait_indirect_dma semaphore(%arg10 : memref<!tpu.dma_semaphore, #tpu.memory_space<semaphore_mem>>) src(%dma_wait3A_99 : memref<10000x128xf32, #tpu.memory_space<hbm>>) dst(%arg9 : memref<200x128xf32, #tpu.memory_space<vmem>>)
      "tpu.region"() ({
        %run_scoped3A = tpu.sem_alloc : memref<!tpu.dma_semaphore, #tpu.memory_space<semaphore_mem>>
        %dma_start3A_100 = arith.constant 0 : i32
        %dma_start3A_101 = arith.constant 0 : i32
        %dma_start3A_102 = tpu.memref_slice %arg15[%dma_start3A_100, %dma_start3A_101] : memref<10128x128xf32, #tpu.memory_space<vmem_shared>> -> memref<10128x128xf32, #tpu.memory_space<vmem_shared>>
        tpu.enqueue_indirect_dma source(%arg9 : memref<200x128xf32, #tpu.memory_space<vmem>>) target(%dma_start3A_102 : memref<10128x128xf32, #tpu.memory_space<vmem_shared>>) offsets(%arg12 : memref<200xi32, #tpu.memory_space<vmem>>) semaphore(%run_scoped3A : memref<!tpu.dma_semaphore, #tpu.memory_space<semaphore_mem>>) {add = true}
        %dma_wait3A_103 = arith.constant 0 : i32
        %dma_wait3A_104 = arith.constant 0 : i32
        %dma_wait3A_105 = tpu.memref_slice %arg15[%dma_wait3A_103, %dma_wait3A_104] : memref<10128x128xf32, #tpu.memory_space<vmem_shared>> -> memref<10128x128xf32, #tpu.memory_space<vmem_shared>>
        tpu.wait_indirect_dma semaphore(%run_scoped3A : memref<!tpu.dma_semaphore, #tpu.memory_space<semaphore_mem>>) src(%arg9 : memref<200x128xf32, #tpu.memory_space<vmem>>) dst(%dma_wait3A_105 : memref<10128x128xf32, #tpu.memory_space<vmem_shared>>)
        tpu.yield
      }) : () -> ()
    }
    %scan3A_16 = arith.constant 24 : i32
    %add3A_17 = arith.constant 9600 : i32
    %add3A_18 = arith.addi %mul3A_6, %add3A_17 : i32
    %dma_wait3A = tpu.memref_slice %arg3[%add3A_18] : memref<320000xi32, #tpu.memory_space<hbm>> -> memref<200xi32, #tpu.memory_space<hbm>>
    %dma_wait3A_19 = tpu.memref_slice %arg3[%add3A_18] : memref<320000xi32, #tpu.memory_space<hbm>> -> memref<200xi32, #tpu.memory_space<hbm>>
    tpu.wait_dma2 semaphore(%arg13 : memref<!tpu.dma_semaphore, #tpu.memory_space<semaphore_mem>>) src(%dma_wait3A_19 : memref<200xi32, #tpu.memory_space<hbm>>) dst(%arg7 : memref<200xi32, #tpu.memory_space<vmem>>)
    %dma_wait3A_20 = tpu.memref_slice %arg4[%add3A_18] : memref<320000xi32, #tpu.memory_space<hbm>> -> memref<200xi32, #tpu.memory_space<hbm>>
    %dma_wait3A_21 = tpu.memref_slice %arg4[%add3A_18] : memref<320000xi32, #tpu.memory_space<hbm>> -> memref<200xi32, #tpu.memory_space<hbm>>
    tpu.wait_dma2 semaphore(%arg13 : memref<!tpu.dma_semaphore, #tpu.memory_space<semaphore_mem>>) src(%dma_wait3A_21 : memref<200xi32, #tpu.memory_space<hbm>>) dst(%arg8 : memref<200xi32, #tpu.memory_space<vmem>>)
    %add3A_22 = arith.constant 9800 : i32
    %add3A_23 = arith.addi %mul3A_6, %add3A_22 : i32
    %dma_start3A_24 = tpu.memref_slice %arg3[%add3A_23] : memref<320000xi32, #tpu.memory_space<hbm>> -> memref<200xi32, #tpu.memory_space<hbm>>
    %dma_start3A_25 = tpu.memref_slice %arg3[%add3A_23] : memref<320000xi32, #tpu.memory_space<hbm>> -> memref<200xi32, #tpu.memory_space<hbm>>
    tpu.enqueue_dma source(%dma_start3A_25 : memref<200xi32, #tpu.memory_space<hbm>>) target(%arg11 : memref<200xi32, #tpu.memory_space<vmem>>) target_semaphore(%arg14 : memref<!tpu.dma_semaphore, #tpu.memory_space<semaphore_mem>>)
    %dma_start3A_26 = tpu.memref_slice %arg4[%add3A_23] : memref<320000xi32, #tpu.memory_space<hbm>> -> memref<200xi32, #tpu.memory_space<hbm>>
    %dma_start3A_27 = tpu.memref_slice %arg4[%add3A_23] : memref<320000xi32, #tpu.memory_space<hbm>> -> memref<200xi32, #tpu.memory_space<hbm>>
    tpu.enqueue_dma source(%dma_start3A_27 : memref<200xi32, #tpu.memory_space<hbm>>) target(%arg12 : memref<200xi32, #tpu.memory_space<vmem>>) target_semaphore(%arg14 : memref<!tpu.dma_semaphore, #tpu.memory_space<semaphore_mem>>)
    %dma_start3A_28 = arith.constant 0 : i32
    %dma_start3A_29 = arith.constant 0 : i32
    %dma_start3A_30 = tpu.memref_slice %arg2[%dma_start3A_28, %dma_start3A_29] : memref<10000x128xf32, #tpu.memory_space<hbm>> -> memref<10000x128xf32, #tpu.memory_space<hbm>>
    tpu.enqueue_indirect_dma source(%dma_start3A_30 : memref<10000x128xf32, #tpu.memory_space<hbm>>) target(%arg9 : memref<200x128xf32, #tpu.memory_space<vmem>>) offsets(%arg7 : memref<200xi32, #tpu.memory_space<vmem>>) semaphore(%arg10 : memref<!tpu.dma_semaphore, #tpu.memory_space<semaphore_mem>>)
    %dma_wait3A_31 = arith.constant 0 : i32
    %dma_wait3A_32 = arith.constant 0 : i32
    %dma_wait3A_33 = tpu.memref_slice %arg2[%dma_wait3A_31, %dma_wait3A_32] : memref<10000x128xf32, #tpu.memory_space<hbm>> -> memref<10000x128xf32, #tpu.memory_space<hbm>>
    tpu.wait_indirect_dma semaphore(%arg10 : memref<!tpu.dma_semaphore, #tpu.memory_space<semaphore_mem>>) src(%dma_wait3A_33 : memref<10000x128xf32, #tpu.memory_space<hbm>>) dst(%arg9 : memref<200x128xf32, #tpu.memory_space<vmem>>)
    "tpu.region"() ({
      %run_scoped3A = tpu.sem_alloc : memref<!tpu.dma_semaphore, #tpu.memory_space<semaphore_mem>>
      %dma_start3A_51 = arith.constant 0 : i32
      %dma_start3A_52 = arith.constant 0 : i32
      %dma_start3A_53 = tpu.memref_slice %arg15[%dma_start3A_51, %dma_start3A_52] : memref<10128x128xf32, #tpu.memory_space<vmem_shared>> -> memref<10128x128xf32, #tpu.memory_space<vmem_shared>>
      tpu.enqueue_indirect_dma source(%arg9 : memref<200x128xf32, #tpu.memory_space<vmem>>) target(%dma_start3A_53 : memref<10128x128xf32, #tpu.memory_space<vmem_shared>>) offsets(%arg8 : memref<200xi32, #tpu.memory_space<vmem>>) semaphore(%run_scoped3A : memref<!tpu.dma_semaphore, #tpu.memory_space<semaphore_mem>>) {add = true}
      %dma_wait3A_54 = arith.constant 0 : i32
      %dma_wait3A_55 = arith.constant 0 : i32
      %dma_wait3A_56 = tpu.memref_slice %arg15[%dma_wait3A_54, %dma_wait3A_55] : memref<10128x128xf32, #tpu.memory_space<vmem_shared>> -> memref<10128x128xf32, #tpu.memory_space<vmem_shared>>
      tpu.wait_indirect_dma semaphore(%run_scoped3A : memref<!tpu.dma_semaphore, #tpu.memory_space<semaphore_mem>>) src(%arg9 : memref<200x128xf32, #tpu.memory_space<vmem>>) dst(%dma_wait3A_56 : memref<10128x128xf32, #tpu.memory_space<vmem_shared>>)
      tpu.yield
    }) : () -> ()
    %add3A_34 = arith.constant 9800 : i32
    %add3A_35 = arith.addi %mul3A_6, %add3A_34 : i32
    %dma_wait3A_36 = tpu.memref_slice %arg3[%add3A_35] : memref<320000xi32, #tpu.memory_space<hbm>> -> memref<200xi32, #tpu.memory_space<hbm>>
    %dma_wait3A_37 = tpu.memref_slice %arg3[%add3A_35] : memref<320000xi32, #tpu.memory_space<hbm>> -> memref<200xi32, #tpu.memory_space<hbm>>
    tpu.wait_dma2 semaphore(%arg14 : memref<!tpu.dma_semaphore, #tpu.memory_space<semaphore_mem>>) src(%dma_wait3A_37 : memref<200xi32, #tpu.memory_space<hbm>>) dst(%arg11 : memref<200xi32, #tpu.memory_space<vmem>>)
    %dma_wait3A_38 = tpu.memref_slice %arg4[%add3A_35] : memref<320000xi32, #tpu.memory_space<hbm>> -> memref<200xi32, #tpu.memory_space<hbm>>
    %dma_wait3A_39 = tpu.memref_slice %arg4[%add3A_35] : memref<320000xi32, #tpu.memory_space<hbm>> -> memref<200xi32, #tpu.memory_space<hbm>>
    tpu.wait_dma2 semaphore(%arg14 : memref<!tpu.dma_semaphore, #tpu.memory_space<semaphore_mem>>) src(%dma_wait3A_39 : memref<200xi32, #tpu.memory_space<hbm>>) dst(%arg12 : memref<200xi32, #tpu.memory_space<vmem>>)
    %dma_start3A_40 = arith.constant 0 : i32
    %dma_start3A_41 = arith.constant 0 : i32
    %dma_start3A_42 = tpu.memref_slice %arg2[%dma_start3A_40, %dma_start3A_41] : memref<10000x128xf32, #tpu.memory_space<hbm>> -> memref<10000x128xf32, #tpu.memory_space<hbm>>
    tpu.enqueue_indirect_dma source(%dma_start3A_42 : memref<10000x128xf32, #tpu.memory_space<hbm>>) target(%arg9 : memref<200x128xf32, #tpu.memory_space<vmem>>) offsets(%arg11 : memref<200xi32, #tpu.memory_space<vmem>>) semaphore(%arg10 : memref<!tpu.dma_semaphore, #tpu.memory_space<semaphore_mem>>)
    %dma_wait3A_43 = arith.constant 0 : i32
    %dma_wait3A_44 = arith.constant 0 : i32
    %dma_wait3A_45 = tpu.memref_slice %arg2[%dma_wait3A_43, %dma_wait3A_44] : memref<10000x128xf32, #tpu.memory_space<hbm>> -> memref<10000x128xf32, #tpu.memory_space<hbm>>
    tpu.wait_indirect_dma semaphore(%arg10 : memref<!tpu.dma_semaphore, #tpu.memory_space<semaphore_mem>>) src(%dma_wait3A_45 : memref<10000x128xf32, #tpu.memory_space<hbm>>) dst(%arg9 : memref<200x128xf32, #tpu.memory_space<vmem>>)
    "tpu.region"() ({
      %run_scoped3A = tpu.sem_alloc : memref<!tpu.dma_semaphore, #tpu.memory_space<semaphore_mem>>
      %dma_start3A_51 = arith.constant 0 : i32
      %dma_start3A_52 = arith.constant 0 : i32
      %dma_start3A_53 = tpu.memref_slice %arg15[%dma_start3A_51, %dma_start3A_52] : memref<10128x128xf32, #tpu.memory_space<vmem_shared>> -> memref<10128x128xf32, #tpu.memory_space<vmem_shared>>
      tpu.enqueue_indirect_dma source(%arg9 : memref<200x128xf32, #tpu.memory_space<vmem>>) target(%dma_start3A_53 : memref<10128x128xf32, #tpu.memory_space<vmem_shared>>) offsets(%arg12 : memref<200xi32, #tpu.memory_space<vmem>>) semaphore(%run_scoped3A : memref<!tpu.dma_semaphore, #tpu.memory_space<semaphore_mem>>) {add = true}
      %dma_wait3A_54 = arith.constant 0 : i32
      %dma_wait3A_55 = arith.constant 0 : i32
      %dma_wait3A_56 = tpu.memref_slice %arg15[%dma_wait3A_54, %dma_wait3A_55] : memref<10128x128xf32, #tpu.memory_space<vmem_shared>> -> memref<10128x128xf32, #tpu.memory_space<vmem_shared>>
      tpu.wait_indirect_dma semaphore(%run_scoped3A : memref<!tpu.dma_semaphore, #tpu.memory_space<semaphore_mem>>) src(%arg9 : memref<200x128xf32, #tpu.memory_space<vmem>>) dst(%dma_wait3A_56 : memref<10128x128xf32, #tpu.memory_space<vmem_shared>>)
      tpu.yield
    }) : () -> ()
    %barrier3A = arith.constant 0 : index
    tpu.barrier barrier_id(%barrier3A)
    "tpu.region"() ({
      %run_scoped3A = tpu.sem_alloc : memref<!tpu.dma_semaphore, #tpu.memory_space<semaphore_mem>>
      %dma_start3A_51 = arith.constant 0 : i32
      %dma_start3A_52 = tpu.memref_slice %arg6[%arg0, %mul3A_2, %dma_start3A_51] : memref<2x10000x128xf32, #tpu.memory_space<hbm>> -> memref<1x624x128xf32, #tpu.memory_space<hbm>>
      %dma_start3A_53 = tpu.memref_squeeze %dma_start3A_52 : memref<1x624x128xf32, #tpu.memory_space<hbm>> -> memref<624x128xf32, #tpu.memory_space<hbm>>
      %dma_start3A_54 = arith.constant 0 : i32
      %dma_start3A_55 = tpu.memref_slice %arg15[%mul3A_2, %dma_start3A_54] : memref<10128x128xf32, #tpu.memory_space<vmem_shared>> -> memref<624x128xf32, #tpu.memory_space<vmem_shared>>
      tpu.enqueue_dma source(%dma_start3A_55 : memref<624x128xf32, #tpu.memory_space<vmem_shared>>) target(%dma_start3A_53 : memref<624x128xf32, #tpu.memory_space<hbm>>) target_semaphore(%run_scoped3A : memref<!tpu.dma_semaphore, #tpu.memory_space<semaphore_mem>>)
      %dma_wait3A_56 = arith.constant 0 : i32
      %dma_wait3A_57 = tpu.memref_slice %arg6[%arg0, %mul3A_2, %dma_wait3A_56] : memref<2x10000x128xf32, #tpu.memory_space<hbm>> -> memref<1x624x128xf32, #tpu.memory_space<hbm>>
      %dma_wait3A_58 = tpu.memref_squeeze %dma_wait3A_57 : memref<1x624x128xf32, #tpu.memory_space<hbm>> -> memref<624x128xf32, #tpu.memory_space<hbm>>
      %dma_wait3A_59 = arith.constant 0 : i32
      %dma_wait3A_60 = tpu.memref_slice %arg15[%mul3A_2, %dma_wait3A_59] : memref<10128x128xf32, #tpu.memory_space<vmem_shared>> -> memref<624x128xf32, #tpu.memory_space<vmem_shared>>
      tpu.wait_dma2 semaphore(%run_scoped3A : memref<!tpu.dma_semaphore, #tpu.memory_space<semaphore_mem>>) src(%dma_wait3A_60 : memref<624x128xf32, #tpu.memory_space<vmem_shared>>) dst(%dma_wait3A_58 : memref<624x128xf32, #tpu.memory_space<hbm>>)
      tpu.yield
    }) : () -> ()
    %eq3A_46 = arith.constant 0 : i32
    %eq3A_47 = arith.cmpi eq, %arg1, %eq3A_46 : i32
    %convert_element_type3A_48 = arith.extui %eq3A_47 : i1 to i32
    %cond3A_49 = arith.constant 0 : i32
    %cond3A_50 = arith.cmpi ne, %convert_element_type3A_48, %cond3A_49 : i32
    scf.if %cond3A_50 {
      "tpu.region"() ({
        %run_scoped3A = tpu.sem_alloc : memref<!tpu.dma_semaphore, #tpu.memory_space<semaphore_mem>>
        %dma_start3A_51 = arith.constant 9984 : i32
        %dma_start3A_52 = arith.constant 0 : i32
        %dma_start3A_53 = tpu.memref_slice %arg6[%arg0, %dma_start3A_51, %dma_start3A_52] : memref<2x10000x128xf32, #tpu.memory_space<hbm>> -> memref<1x16x128xf32, #tpu.memory_space<hbm>>
        %dma_start3A_54 = tpu.memref_squeeze %dma_start3A_53 : memref<1x16x128xf32, #tpu.memory_space<hbm>> -> memref<16x128xf32, #tpu.memory_space<hbm>>
        %dma_start3A_55 = arith.constant 9984 : i32
        %dma_start3A_56 = arith.constant 0 : i32
        %dma_start3A_57 = tpu.memref_slice %arg15[%dma_start3A_55, %dma_start3A_56] : memref<10128x128xf32, #tpu.memory_space<vmem_shared>> -> memref<16x128xf32, #tpu.memory_space<vmem_shared>>
        tpu.enqueue_dma source(%dma_start3A_57 : memref<16x128xf32, #tpu.memory_space<vmem_shared>>) target(%dma_start3A_54 : memref<16x128xf32, #tpu.memory_space<hbm>>) target_semaphore(%run_scoped3A : memref<!tpu.dma_semaphore, #tpu.memory_space<semaphore_mem>>)
        %dma_wait3A_58 = arith.constant 9984 : i32
        %dma_wait3A_59 = arith.constant 0 : i32
        %dma_wait3A_60 = tpu.memref_slice %arg6[%arg0, %dma_wait3A_58, %dma_wait3A_59] : memref<2x10000x128xf32, #tpu.memory_space<hbm>> -> memref<1x16x128xf32, #tpu.memory_space<hbm>>
        %dma_wait3A_61 = tpu.memref_squeeze %dma_wait3A_60 : memref<1x16x128xf32, #tpu.memory_space<hbm>> -> memref<16x128xf32, #tpu.memory_space<hbm>>
        %dma_wait3A_62 = arith.constant 9984 : i32
        %dma_wait3A_63 = arith.constant 0 : i32
        %dma_wait3A_64 = tpu.memref_slice %arg15[%dma_wait3A_62, %dma_wait3A_63] : memref<10128x128xf32, #tpu.memory_space<vmem_shared>> -> memref<16x128xf32, #tpu.memory_space<vmem_shared>>
        tpu.wait_dma2 semaphore(%run_scoped3A : memref<!tpu.dma_semaphore, #tpu.memory_space<semaphore_mem>>) src(%dma_wait3A_64 : memref<16x128xf32, #tpu.memory_space<vmem_shared>>) dst(%dma_wait3A_61 : memref<16x128xf32, #tpu.memory_space<hbm>>)
        tpu.yield
      }) : () -> ()
    } else {
    }
    return
  }
}

module attributes {stable_mosaic.version = 14 : i64} {
  func.func @_pre_body(%arg0: i32, %arg1: memref<2000x128xf32, #tpu.memory_space<vmem>>, %arg2: memref<128x128xf32, #tpu.memory_space<vmem>>, %arg3: memref<1x128xf32, #tpu.memory_space<vmem>>, %arg4: memref<2x2000x1xf32, #tpu.memory_space<vmem>>, %arg5: memref<2000x128xf32, #tpu.memory_space<vmem>>, %arg6: memref<2000x128xf32, #tpu.memory_space<vmem>>, %arg7: memref<2000x1xf32, #tpu.memory_space<vmem>>) attributes {dimension_semantics = [#tpu.dimension_semantics<arbitrary>], iteration_bounds = array<i64: 5>, scalar_prefetch = 0 : i64, scratch_operands = 0 : i64, tpu.core_type = #tpu.core_type<tc>, window_params = [{transform_indices = @transform_0, window_bounds = array<i64: 2000, 128>}, {pipeline_mode = #tpu.pipeline_mode<synchronous>, transform_indices = @transform_1, window_bounds = array<i64: 128, 128>}, {pipeline_mode = #tpu.pipeline_mode<synchronous>, transform_indices = @transform_2, window_bounds = array<i64: 1, 128>}, {transform_indices = @transform_3, window_bounds = array<i64: 2, 2000, 1>}, {transform_indices = @transform_4, window_bounds = array<i64: 2000, 128>}, {transform_indices = @transform_5, window_bounds = array<i64: 2000, 128>}, {transform_indices = @transform_6, window_bounds = array<i64: 2000, 1>}]} {
    %get3A = arith.constant 0 : index
    %get3A_0 = arith.constant 0 : index
    %get3A_1 = arith.constant 0 : index
    %get3A_2 = vector.load %arg4[%get3A, %get3A_0, %get3A_1] : memref<2x2000x1xf32, #tpu.memory_space<vmem>>, vector<1x2000x1xf32>
    %get3A_3 = vector.shape_cast %get3A_2 : vector<1x2000x1xf32> to vector<2000x1xf32>
    %get3A_4 = arith.constant 1 : index
    %get3A_5 = arith.constant 0 : index
    %get3A_6 = arith.constant 0 : index
    %get3A_7 = vector.load %arg4[%get3A_4, %get3A_5, %get3A_6] : memref<2x2000x1xf32, #tpu.memory_space<vmem>>, vector<1x2000x1xf32>
    %get3A_8 = vector.shape_cast %get3A_7 : vector<1x2000x1xf32> to vector<2000x1xf32>
    %add3A = arith.addf %get3A_3, %get3A_8 : vector<2000x1xf32>
    %gt3A = arith.constant 0.000000e+00 : f32
    %gt3A_9 = vector.broadcast %gt3A : f32 to vector<2000x1xf32>
    %gt3A_10 = arith.cmpf ogt, %add3A, %gt3A_9 : vector<2000x1xf32>
    %max3A = arith.constant 1.000000e-30 : f32
    %max3A_11 = vector.broadcast %max3A : f32 to vector<2000x1xf32>
    %max3A_12 = arith.maximumf %add3A, %max3A_11 : vector<2000x1xf32>
    %rsqrt3A = math.rsqrt %max3A_12 : vector<2000x1xf32>
    %jit3A = arith.constant 0.000000e+00 : f32
    %broadcast_in_dim3A = vector.broadcast %jit3A : f32 to vector<2000x1xf32>
    %select_n3A = arith.select %gt3A_10, %rsqrt3A, %broadcast_in_dim3A : vector<2000x1xi1>, vector<2000x1xf32>
    %get3A_13 = arith.constant 0 : index
    %get3A_14 = arith.constant 0 : index
    %get3A_15 = vector.load %arg1[%get3A_13, %get3A_14] : memref<2000x128xf32, #tpu.memory_space<vmem>>, vector<2000x128xf32>
    %get3A_16 = arith.constant 0 : index
    %get3A_17 = arith.constant 0 : index
    %get3A_18 = vector.load %arg2[%get3A_16, %get3A_17] : memref<128x128xf32, #tpu.memory_space<vmem>>, vector<128x128xf32>
    %dot_general3A = arith.constant dense<0.000000e+00> : vector<2000x128xf32>
    %dot_general3A_19 = tpu.matmul %get3A_15, %get3A_18, %dot_general3A {dimension_numbers = #tpu.dot_dimension_numbers<[1], [1], [0], [0], [0, 0, 1, 0], [], []>, transpose_lhs_hint = false} : vector<2000x128xf32>, vector<128x128xf32>, vector<2000x128xf32> -> vector<2000x128xf32>
    %get3A_20 = arith.constant 0 : index
    %get3A_21 = arith.constant 0 : index
    %get3A_22 = vector.load %arg3[%get3A_20, %get3A_21] : memref<1x128xf32, #tpu.memory_space<vmem>>, vector<1x128xf32>
    %add3A_23 = vector.broadcast %get3A_22 : vector<1x128xf32> to vector<2000x128xf32>
    %add3A_24 = arith.addf %dot_general3A_19, %add3A_23 : vector<2000x128xf32>
    %swap3A = arith.constant 0 : index
    %swap3A_25 = arith.constant 0 : index
    %swap3A_26 = vector.load %arg5[%swap3A, %swap3A_25] : memref<2000x128xf32, #tpu.memory_space<vmem>>, vector<2000x128xf32>
    tpu.vector_store %arg5[%swap3A, %swap3A_25], %add3A_24 {strides = array<i32>} : memref<2000x128xf32, #tpu.memory_space<vmem>>, vector<2000x128xf32>,
    %mul3A = vector.broadcast %select_n3A : vector<2000x1xf32> to vector<2000x128xf32>
    %mul3A_27 = arith.mulf %add3A_24, %mul3A : vector<2000x128xf32>
    %swap3A_28 = arith.constant 0 : index
    %swap3A_29 = arith.constant 0 : index
    %swap3A_30 = vector.load %arg6[%swap3A_28, %swap3A_29] : memref<2000x128xf32, #tpu.memory_space<vmem>>, vector<2000x128xf32>
    tpu.vector_store %arg6[%swap3A_28, %swap3A_29], %mul3A_27 {strides = array<i32>} : memref<2000x128xf32, #tpu.memory_space<vmem>>, vector<2000x128xf32>,
    %swap3A_31 = arith.constant 0 : index
    %swap3A_32 = arith.constant 0 : index
    %swap3A_33 = vector.load %arg7[%swap3A_31, %swap3A_32] : memref<2000x1xf32, #tpu.memory_space<vmem>>, vector<2000x1xf32>
    tpu.vector_store %arg7[%swap3A_31, %swap3A_32], %select_n3A {strides = array<i32>} : memref<2000x1xf32, #tpu.memory_space<vmem>>, vector<2000x1xf32>,
    return
  }
  func.func @transform_0(%arg0: i32) -> (i32, i32) {
    %c0_i32 = arith.constant 0 : i32
    %c0_i32_0 = arith.constant 0 : i32
    return %arg0, %c0_i32 : i32, i32
  }
  func.func @transform_1(%arg0: i32) -> (i32, i32) {
    %c0_i32 = arith.constant 0 : i32
    %c0_i32_0 = arith.constant 0 : i32
    %c0_i32_1 = arith.constant 0 : i32
    return %c0_i32, %c0_i32_0 : i32, i32
  }
  func.func @transform_2(%arg0: i32) -> (i32, i32) {
    %c0_i32 = arith.constant 0 : i32
    %c0_i32_0 = arith.constant 0 : i32
    %c0_i32_1 = arith.constant 0 : i32
    return %c0_i32, %c0_i32_0 : i32, i32
  }
  func.func @transform_3(%arg0: i32) -> (i32, i32, i32) {
    %c0_i32 = arith.constant 0 : i32
    %c0_i32_0 = arith.constant 0 : i32
    %c0_i32_1 = arith.constant 0 : i32
    return %c0_i32, %arg0, %c0_i32_0 : i32, i32, i32
  }
  func.func @transform_4(%arg0: i32) -> (i32, i32) {
    %c0_i32 = arith.constant 0 : i32
    %c0_i32_0 = arith.constant 0 : i32
    return %arg0, %c0_i32 : i32, i32
  }
  func.func @transform_5(%arg0: i32) -> (i32, i32) {
    %c0_i32 = arith.constant 0 : i32
    %c0_i32_0 = arith.constant 0 : i32
    return %arg0, %c0_i32 : i32, i32
  }
  func.func @transform_6(%arg0: i32) -> (i32, i32) {
    %c0_i32 = arith.constant 0 : i32
    %c0_i32_0 = arith.constant 0 : i32
    return %arg0, %c0_i32 : i32, i32
  }
}

module attributes {stable_mosaic.version = 14 : i64} {
  func.func @_conv_body(%arg0: i32, %arg1: memref<2x2000x128xf32, #tpu.memory_space<vmem>>, %arg2: memref<2000x128xf32, #tpu.memory_space<vmem>>, %arg3: memref<2000x1xf32, #tpu.memory_space<vmem>>, %arg4: memref<128x128xf32, #tpu.memory_space<vmem>>, %arg5: memref<128x128xf32, #tpu.memory_space<vmem>>, %arg6: memref<2000x128xf32, #tpu.memory_space<vmem>>, %arg7: memref<2000x128xf32, #tpu.memory_space<vmem>>) attributes {dimension_semantics = [#tpu.dimension_semantics<arbitrary>], iteration_bounds = array<i64: 5>, scalar_prefetch = 0 : i64, scratch_operands = 0 : i64, tpu.core_type = #tpu.core_type<tc>, window_params = [{transform_indices = @transform_0, window_bounds = array<i64: 2, 2000, 128>}, {transform_indices = @transform_1, window_bounds = array<i64: 2000, 128>}, {transform_indices = @transform_2, window_bounds = array<i64: 2000, 1>}, {pipeline_mode = #tpu.pipeline_mode<synchronous>, transform_indices = @transform_3, window_bounds = array<i64: 128, 128>}, {pipeline_mode = #tpu.pipeline_mode<synchronous>, transform_indices = @transform_4, window_bounds = array<i64: 128, 128>}, {transform_indices = @transform_5, window_bounds = array<i64: 2000, 128>}, {transform_indices = @transform_6, window_bounds = array<i64: 2000, 128>}]} {
    %get3A = arith.constant 0 : index
    %get3A_0 = arith.constant 0 : index
    %get3A_1 = vector.load %arg3[%get3A, %get3A_0] : memref<2000x1xf32, #tpu.memory_space<vmem>>, vector<2000x1xf32>
    %get3A_2 = arith.constant 0 : index
    %get3A_3 = arith.constant 0 : index
    %get3A_4 = arith.constant 0 : index
    %get3A_5 = vector.load %arg1[%get3A_2, %get3A_3, %get3A_4] : memref<2x2000x128xf32, #tpu.memory_space<vmem>>, vector<1x2000x128xf32>
    %get3A_6 = vector.shape_cast %get3A_5 : vector<1x2000x128xf32> to vector<2000x128xf32>
    %get3A_7 = arith.constant 1 : index
    %get3A_8 = arith.constant 0 : index
    %get3A_9 = arith.constant 0 : index
    %get3A_10 = vector.load %arg1[%get3A_7, %get3A_8, %get3A_9] : memref<2x2000x128xf32, #tpu.memory_space<vmem>>, vector<1x2000x128xf32>
    %get3A_11 = vector.shape_cast %get3A_10 : vector<1x2000x128xf32> to vector<2000x128xf32>
    %add3A = arith.addf %get3A_6, %get3A_11 : vector<2000x128xf32>
    %mul3A = vector.broadcast %get3A_1 : vector<2000x1xf32> to vector<2000x128xf32>
    %mul3A_12 = arith.mulf %add3A, %mul3A : vector<2000x128xf32>
    %get3A_13 = arith.constant 0 : index
    %get3A_14 = arith.constant 0 : index
    %get3A_15 = vector.load %arg4[%get3A_13, %get3A_14] : memref<128x128xf32, #tpu.memory_space<vmem>>, vector<128x128xf32>
    %dot_general3A = arith.constant dense<0.000000e+00> : vector<2000x128xf32>
    %dot_general3A_16 = tpu.matmul %mul3A_12, %get3A_15, %dot_general3A {dimension_numbers = #tpu.dot_dimension_numbers<[1], [1], [0], [0], [0, 0, 1, 0], [], []>, transpose_lhs_hint = false} : vector<2000x128xf32>, vector<128x128xf32>, vector<2000x128xf32> -> vector<2000x128xf32>
    %get3A_17 = arith.constant 0 : index
    %get3A_18 = arith.constant 0 : index
    %get3A_19 = vector.load %arg2[%get3A_17, %get3A_18] : memref<2000x128xf32, #tpu.memory_space<vmem>>, vector<2000x128xf32>
    %get3A_20 = arith.constant 0 : index
    %get3A_21 = arith.constant 0 : index
    %get3A_22 = vector.load %arg5[%get3A_20, %get3A_21] : memref<128x128xf32, #tpu.memory_space<vmem>>, vector<128x128xf32>
    %dot_general3A_23 = arith.constant dense<0.000000e+00> : vector<2000x128xf32>
    %dot_general3A_24 = tpu.matmul %get3A_19, %get3A_22, %dot_general3A_23 {dimension_numbers = #tpu.dot_dimension_numbers<[1], [1], [0], [0], [0, 0, 1, 0], [], []>, transpose_lhs_hint = false} : vector<2000x128xf32>, vector<128x128xf32>, vector<2000x128xf32> -> vector<2000x128xf32>
    %add3A_25 = arith.addf %dot_general3A_16, %dot_general3A_24 : vector<2000x128xf32>
    %integer_pow3A = arith.mulf %add3A_25, %add3A_25 : vector<2000x128xf32>
    %integer_pow3A_26 = arith.mulf %add3A_25, %integer_pow3A : vector<2000x128xf32>
    %mul3A_27 = arith.constant 4.471500e-02 : f32
    %mul3A_28 = vector.broadcast %mul3A_27 : f32 to vector<2000x128xf32>
    %mul3A_29 = arith.mulf %mul3A_28, %integer_pow3A_26 : vector<2000x128xf32>
    %add3A_30 = arith.addf %add3A_25, %mul3A_29 : vector<2000x128xf32>
    %mul3A_31 = arith.constant 0.797884583 : f32
    %mul3A_32 = vector.broadcast %mul3A_31 : f32 to vector<2000x128xf32>
    %mul3A_33 = arith.mulf %mul3A_32, %add3A_30 : vector<2000x128xf32>
    %tanh3A = math.tanh %mul3A_33 : vector<2000x128xf32>
    %add3A_34 = arith.constant 1.000000e+00 : f32
    %add3A_35 = vector.broadcast %add3A_34 : f32 to vector<2000x128xf32>
    %add3A_36 = arith.addf %add3A_35, %tanh3A : vector<2000x128xf32>
    %mul3A_37 = arith.constant 5.000000e-01 : f32
    %mul3A_38 = vector.broadcast %mul3A_37 : f32 to vector<2000x128xf32>
    %mul3A_39 = arith.mulf %mul3A_38, %add3A_36 : vector<2000x128xf32>
    %mul3A_40 = arith.mulf %add3A_25, %mul3A_39 : vector<2000x128xf32>
    %swap3A = arith.constant 0 : index
    %swap3A_41 = arith.constant 0 : index
    %swap3A_42 = vector.load %arg6[%swap3A, %swap3A_41] : memref<2000x128xf32, #tpu.memory_space<vmem>>, vector<2000x128xf32>
    tpu.vector_store %arg6[%swap3A, %swap3A_41], %mul3A_40 {strides = array<i32>} : memref<2000x128xf32, #tpu.memory_space<vmem>>, vector<2000x128xf32>,
    %mul3A_43 = vector.broadcast %get3A_1 : vector<2000x1xf32> to vector<2000x128xf32>
    %mul3A_44 = arith.mulf %mul3A_40, %mul3A_43 : vector<2000x128xf32>
    %swap3A_45 = arith.constant 0 : index
    %swap3A_46 = arith.constant 0 : index
    %swap3A_47 = vector.load %arg7[%swap3A_45, %swap3A_46] : memref<2000x128xf32, #tpu.memory_space<vmem>>, vector<2000x128xf32>
    tpu.vector_store %arg7[%swap3A_45, %swap3A_46], %mul3A_44 {strides = array<i32>} : memref<2000x128xf32, #tpu.memory_space<vmem>>, vector<2000x128xf32>,
    return
  }
  func.func @transform_0(%arg0: i32) -> (i32, i32, i32) {
    %c0_i32 = arith.constant 0 : i32
    %c0_i32_0 = arith.constant 0 : i32
    %c0_i32_1 = arith.constant 0 : i32
    return %c0_i32, %arg0, %c0_i32_0 : i32, i32, i32
  }
  func.func @transform_1(%arg0: i32) -> (i32, i32) {
    %c0_i32 = arith.constant 0 : i32
    %c0_i32_0 = arith.constant 0 : i32
    return %arg0, %c0_i32 : i32, i32
  }
  func.func @transform_2(%arg0: i32) -> (i32, i32) {
    %c0_i32 = arith.constant 0 : i32
    %c0_i32_0 = arith.constant 0 : i32
    return %arg0, %c0_i32 : i32, i32
  }
  func.func @transform_3(%arg0: i32) -> (i32, i32) {
    %c0_i32 = arith.constant 0 : i32
    %c0_i32_0 = arith.constant 0 : i32
    %c0_i32_1 = arith.constant 0 : i32
    return %c0_i32, %c0_i32_0 : i32, i32
  }
  func.func @transform_4(%arg0: i32) -> (i32, i32) {
    %c0_i32 = arith.constant 0 : i32
    %c0_i32_0 = arith.constant 0 : i32
    %c0_i32_1 = arith.constant 0 : i32
    return %c0_i32, %c0_i32_0 : i32, i32
  }
  func.func @transform_5(%arg0: i32) -> (i32, i32) {
    %c0_i32 = arith.constant 0 : i32
    %c0_i32_0 = arith.constant 0 : i32
    return %arg0, %c0_i32 : i32, i32
  }
  func.func @transform_6(%arg0: i32) -> (i32, i32) {
    %c0_i32 = arith.constant 0 : i32
    %c0_i32_0 = arith.constant 0 : i32
    return %arg0, %c0_i32 : i32, i32
  }
}

module attributes {stable_mosaic.version = 14 : i64} {
  func.func @_final_body(%arg0: i32, %arg1: memref<2x2000x128xf32, #tpu.memory_space<vmem>>, %arg2: memref<2000x128xf32, #tpu.memory_space<vmem>>, %arg3: memref<2000x1xf32, #tpu.memory_space<vmem>>, %arg4: memref<128x128xf32, #tpu.memory_space<vmem>>, %arg5: memref<128x128xf32, #tpu.memory_space<vmem>>, %arg6: memref<40x128xf32, #tpu.memory_space<vmem>>, %arg7: memref<1x40xf32, #tpu.memory_space<vmem>>, %arg8: memref<2000x40xf32, #tpu.memory_space<vmem>>) attributes {dimension_semantics = [#tpu.dimension_semantics<arbitrary>], iteration_bounds = array<i64: 5>, scalar_prefetch = 0 : i64, scratch_operands = 0 : i64, tpu.core_type = #tpu.core_type<tc>, window_params = [{transform_indices = @transform_0, window_bounds = array<i64: 2, 2000, 128>}, {transform_indices = @transform_1, window_bounds = array<i64: 2000, 128>}, {transform_indices = @transform_2, window_bounds = array<i64: 2000, 1>}, {pipeline_mode = #tpu.pipeline_mode<synchronous>, transform_indices = @transform_3, window_bounds = array<i64: 128, 128>}, {pipeline_mode = #tpu.pipeline_mode<synchronous>, transform_indices = @transform_4, window_bounds = array<i64: 128, 128>}, {pipeline_mode = #tpu.pipeline_mode<synchronous>, transform_indices = @transform_5, window_bounds = array<i64: 40, 128>}, {pipeline_mode = #tpu.pipeline_mode<synchronous>, transform_indices = @transform_6, window_bounds = array<i64: 1, 40>}, {transform_indices = @transform_7, window_bounds = array<i64: 2000, 40>}]} {
    %get3A = arith.constant 0 : index
    %get3A_0 = arith.constant 0 : index
    %get3A_1 = vector.load %arg3[%get3A, %get3A_0] : memref<2000x1xf32, #tpu.memory_space<vmem>>, vector<2000x1xf32>
    %get3A_2 = arith.constant 0 : index
    %get3A_3 = arith.constant 0 : index
    %get3A_4 = arith.constant 0 : index
    %get3A_5 = vector.load %arg1[%get3A_2, %get3A_3, %get3A_4] : memref<2x2000x128xf32, #tpu.memory_space<vmem>>, vector<1x2000x128xf32>
    %get3A_6 = vector.shape_cast %get3A_5 : vector<1x2000x128xf32> to vector<2000x128xf32>
    %get3A_7 = arith.constant 1 : index
    %get3A_8 = arith.constant 0 : index
    %get3A_9 = arith.constant 0 : index
    %get3A_10 = vector.load %arg1[%get3A_7, %get3A_8, %get3A_9] : memref<2x2000x128xf32, #tpu.memory_space<vmem>>, vector<1x2000x128xf32>
    %get3A_11 = vector.shape_cast %get3A_10 : vector<1x2000x128xf32> to vector<2000x128xf32>
    %add3A = arith.addf %get3A_6, %get3A_11 : vector<2000x128xf32>
    %mul3A = vector.broadcast %get3A_1 : vector<2000x1xf32> to vector<2000x128xf32>
    %mul3A_12 = arith.mulf %add3A, %mul3A : vector<2000x128xf32>
    %get3A_13 = arith.constant 0 : index
    %get3A_14 = arith.constant 0 : index
    %get3A_15 = vector.load %arg4[%get3A_13, %get3A_14] : memref<128x128xf32, #tpu.memory_space<vmem>>, vector<128x128xf32>
    %dot_general3A = arith.constant dense<0.000000e+00> : vector<2000x128xf32>
    %dot_general3A_16 = tpu.matmul %mul3A_12, %get3A_15, %dot_general3A {dimension_numbers = #tpu.dot_dimension_numbers<[1], [1], [0], [0], [0, 0, 1, 0], [], []>, transpose_lhs_hint = false} : vector<2000x128xf32>, vector<128x128xf32>, vector<2000x128xf32> -> vector<2000x128xf32>
    %get3A_17 = arith.constant 0 : index
    %get3A_18 = arith.constant 0 : index
    %get3A_19 = vector.load %arg2[%get3A_17, %get3A_18] : memref<2000x128xf32, #tpu.memory_space<vmem>>, vector<2000x128xf32>
    %get3A_20 = arith.constant 0 : index
    %get3A_21 = arith.constant 0 : index
    %get3A_22 = vector.load %arg5[%get3A_20, %get3A_21] : memref<128x128xf32, #tpu.memory_space<vmem>>, vector<128x128xf32>
    %dot_general3A_23 = arith.constant dense<0.000000e+00> : vector<2000x128xf32>
    %dot_general3A_24 = tpu.matmul %get3A_19, %get3A_22, %dot_general3A_23 {dimension_numbers = #tpu.dot_dimension_numbers<[1], [1], [0], [0], [0, 0, 1, 0], [], []>, transpose_lhs_hint = false} : vector<2000x128xf32>, vector<128x128xf32>, vector<2000x128xf32> -> vector<2000x128xf32>
    %add3A_25 = arith.addf %dot_general3A_16, %dot_general3A_24 : vector<2000x128xf32>
    %integer_pow3A = arith.mulf %add3A_25, %add3A_25 : vector<2000x128xf32>
    %integer_pow3A_26 = arith.mulf %add3A_25, %integer_pow3A : vector<2000x128xf32>
    %mul3A_27 = arith.constant 4.471500e-02 : f32
    %mul3A_28 = vector.broadcast %mul3A_27 : f32 to vector<2000x128xf32>
    %mul3A_29 = arith.mulf %mul3A_28, %integer_pow3A_26 : vector<2000x128xf32>
    %add3A_30 = arith.addf %add3A_25, %mul3A_29 : vector<2000x128xf32>
    %mul3A_31 = arith.constant 0.797884583 : f32
    %mul3A_32 = vector.broadcast %mul3A_31 : f32 to vector<2000x128xf32>
    %mul3A_33 = arith.mulf %mul3A_32, %add3A_30 : vector<2000x128xf32>
    %tanh3A = math.tanh %mul3A_33 : vector<2000x128xf32>
    %add3A_34 = arith.constant 1.000000e+00 : f32
    %add3A_35 = vector.broadcast %add3A_34 : f32 to vector<2000x128xf32>
    %add3A_36 = arith.addf %add3A_35, %tanh3A : vector<2000x128xf32>
    %mul3A_37 = arith.constant 5.000000e-01 : f32
    %mul3A_38 = vector.broadcast %mul3A_37 : f32 to vector<2000x128xf32>
    %mul3A_39 = arith.mulf %mul3A_38, %add3A_36 : vector<2000x128xf32>
    %mul3A_40 = arith.mulf %add3A_25, %mul3A_39 : vector<2000x128xf32>
    %get3A_41 = arith.constant 0 : index
    %get3A_42 = arith.constant 0 : index
    %get3A_43 = vector.load %arg6[%get3A_41, %get3A_42] : memref<40x128xf32, #tpu.memory_space<vmem>>, vector<40x128xf32>
    %dot_general3A_44 = arith.constant dense<0.000000e+00> : vector<2000x40xf32>
    %dot_general3A_45 = tpu.matmul %mul3A_40, %get3A_43, %dot_general3A_44 {dimension_numbers = #tpu.dot_dimension_numbers<[1], [1], [0], [0], [0, 0, 1, 0], [], []>, transpose_lhs_hint = false} : vector<2000x128xf32>, vector<40x128xf32>, vector<2000x40xf32> -> vector<2000x40xf32>
    %get3A_46 = arith.constant 0 : index
    %get3A_47 = arith.constant 0 : index
    %get3A_48 = vector.load %arg7[%get3A_46, %get3A_47] : memref<1x40xf32, #tpu.memory_space<vmem>>, vector<1x40xf32>
    %add3A_49 = vector.broadcast %get3A_48 : vector<1x40xf32> to vector<2000x40xf32>
    %add3A_50 = arith.addf %dot_general3A_45, %add3A_49 : vector<2000x40xf32>
    %swap3A = arith.constant 0 : index
    %swap3A_51 = arith.constant 0 : index
    %swap3A_52 = vector.load %arg8[%swap3A, %swap3A_51] : memref<2000x40xf32, #tpu.memory_space<vmem>>, vector<2000x40xf32>
    tpu.vector_store %arg8[%swap3A, %swap3A_51], %add3A_50 {strides = array<i32>} : memref<2000x40xf32, #tpu.memory_space<vmem>>, vector<2000x40xf32>,
    return
  }
  func.func @transform_0(%arg0: i32) -> (i32, i32, i32) {
    %c0_i32 = arith.constant 0 : i32
    %c0_i32_0 = arith.constant 0 : i32
    %c0_i32_1 = arith.constant 0 : i32
    return %c0_i32, %arg0, %c0_i32_0 : i32, i32, i32
  }
  func.func @transform_1(%arg0: i32) -> (i32, i32) {
    %c0_i32 = arith.constant 0 : i32
    %c0_i32_0 = arith.constant 0 : i32
    return %arg0, %c0_i32 : i32, i32
  }
  func.func @transform_2(%arg0: i32) -> (i32, i32) {
    %c0_i32 = arith.constant 0 : i32
    %c0_i32_0 = arith.constant 0 : i32
    return %arg0, %c0_i32 : i32, i32
  }
  func.func @transform_3(%arg0: i32) -> (i32, i32) {
    %c0_i32 = arith.constant 0 : i32
    %c0_i32_0 = arith.constant 0 : i32
    %c0_i32_1 = arith.constant 0 : i32
    return %c0_i32, %c0_i32_0 : i32, i32
  }
  func.func @transform_4(%arg0: i32) -> (i32, i32) {
    %c0_i32 = arith.constant 0 : i32
    %c0_i32_0 = arith.constant 0 : i32
    %c0_i32_1 = arith.constant 0 : i32
    return %c0_i32, %c0_i32_0 : i32, i32
  }
  func.func @transform_5(%arg0: i32) -> (i32, i32) {
    %c0_i32 = arith.constant 0 : i32
    %c0_i32_0 = arith.constant 0 : i32
    %c0_i32_1 = arith.constant 0 : i32
    return %c0_i32, %c0_i32_0 : i32, i32
  }
  func.func @transform_6(%arg0: i32) -> (i32, i32) {
    %c0_i32 = arith.constant 0 : i32
    %c0_i32_0 = arith.constant 0 : i32
    %c0_i32_1 = arith.constant 0 : i32
    return %c0_i32, %c0_i32_0 : i32, i32
  }
  func.func @transform_7(%arg0: i32) -> (i32, i32) {
    %c0_i32 = arith.constant 0 : i32
    %c0_i32_0 = arith.constant 0 : i32
    return %arg0, %c0_i32 : i32, i32
  }
}

</mosaic_0001>

<sc_bundles>
// kernel: kernel.11.cloned.1.call-start
scs
__scs_entry_jumppad:
0x0: {  	(pc) =	sbr.rel $0x88, $3  }
0x1: {  	(tag) =	ssettag $0x0;
	lr =	simm.s32 $0x1  }
0x2: {  	[smem:$0x3F99] =	sst lr;
	_ =	strace $0xD0000000  }
0x3: {  	_ = 	snop  }
0x4: {  	_ = 	snop  }
0x5: {  	_ = 	snop  }
0x6: {  	_ = 	snop  }
0x7: {  	_ = 	snop  }
__scs_overlays_trampoline_lowered:
0x8: {  	[smem:$0x3FA8] =	sst s0  }
0x9: {  	[smem:$0x3FA9] =	sst s1  }
0xa: {  	[smem:$0x3FAA] =	sst s2  }
0xb: {  	[smem:$0x3FAB] =	sst s3  }
0xc: {  	[smem:$0x3FAC] =	sst s4  }
0xd: {  	[smem:$0x3FAD] =	sst s5  }
0xe: {  	[smem:$0x3FAE] =	sst s6  }
0xf: {  	[smem:$0x3FAF] =	sst s7  }
0x10: {  	[smem:$0x3FB0] =	sst s8  }
0x11: {  	[smem:$0x3FB1] =	sst s9;
	s0 =	simm.s32 @!p0 $0x0  }
0x12: {  	s1 =	sld [smem:$0x3F97];
	s0 =	simm.s32 @p0 $0x1  }
0x13: {  	[smem:$0x3FB2] =	sst s0;
	s0 =	simm.s32 @!p1 $0x0  }
0x14: {  	s2 =	sld [smem:$0x3F96];
	s0 =	simm.s32 @p1 $0x1  }
0x15: {  	[smem:$0x3FB3] =	sst s0;
	s0 =	simm.s32 @!p2 $0x0  }
0x16: {  	s3 =	sld [smem:$0x3FDB];
	s0 =	simm.s32 @p2 $0x1  }
0x17: {  	s4 =	simm.s32 $0x1BF5;
	[smem:$0x3FB5] =	sst s0  }
0x18: {  	s0 =	sld [smem:$0x3F98];
	_ =	swait.ge [sflag:s4], $0x0  }
0x19: {  	s7 =	sld [smem:$0x3F99]  }
0x1a: {  	s8 =	sadd.s32 $0xFFFFE003, lr  }
0x1b: {  	s9 =	sadd.s32 $0xFFFFFEF7, lr;
	s5 =	simm.s32 $0xFFFFFFFF;
	p2 =	slt.u32 s8, $0xFFFFF086  }
0x1c: {  	p1 =	slt.u32 s9, $0xF7A;
	s5 =	simm.s32 @!p2 $0x0  }
0x1d: {  	s5 =	simm.s32 @p1 $0x1;
	p0 =	seq.s32 s7, s2  }
0x1e: {  	s7 =	smul.u32 @!p0 $0xF7A, s2;
	p2 =	seq.s32 @!p0 s5, $0x0  }
0x1f: {  	s9 =	smul.u32 $0xF7A, s1;
	s8 =	simm.s32 @!p0 $0x1BF5;
	p2 =	por !p2, p0  }
0x20: {  	[sflag:s8] =	ssyncset.s32 @!p0 $0xFFFFF086;
	s6 =	sadd.s32 @!p0 s3, s7;
	s7 =	simm.s32 @!p0 $0x108  }
0x21: {  	s3 =	sadd.s32 s3, s9;
	s6 =	sadd.s32 @!p0 $0x88, s6;
	s7 =	simm.s32 @p2 $0x1082  }
0x22: {  	[simem:s7], [sflag:s8] =	dma.local @!p0 [hbm:s6], $0xF7A  }
0x23: {  	s9 =	sor.u32 $0xD0000000, s2;
	s6 =	simm.s32 $0x108;
	_ =	swait.ge @!p0 [sflag:s8], $0x0  }
0x24: {  	s3 =	sadd.s32 $0x88, s3;
	s6 =	simm.s32 @!p1 $0x1082;
	[sflag:s4] =	ssyncset.s32 $0xFFFFF086  }
0x25: {  	[simem:s6], [sflag:s4] =	dma.local [hbm:s3], $0xF7A  }
0x26: {  	[smem:$0x3F99] =	sst s1;
	(tag) =	ssettag s2;
	_ =	strace s9  }
0x27: {  	s1 =	sld [smem:$0x3FA9]  }
0x28: {  	s2 =	sld [smem:$0x3FAA]  }
0x29: {  	s4 =	sld [smem:$0x3FAC]  }
0x2a: {  	p0 =	seq.s32 s5, $0x0;
	s5 =	sld [smem:$0x3FAD]  }
0x2b: {  	s6 =	sld [smem:$0x3FAE]  }
0x2c: {  	s7 =	sld [smem:$0x3FAF]  }
0x2d: {  	s3 =	simm.s32 $0x108;
	s8 =	sld [smem:$0x3FB0]  }
0x2e: {  	s3 =	simm.s32 @!p0 $0x1082;
	s9 =	sld [smem:$0x3FB1]  }
0x2f: {  	lr =	sadd.s32 s0, s3;
	s0 =	sld [smem:$0x3FA8]  }
0x30: {  	s3 =	sld [smem:$0x3FAB]  }
0x31: {  	[smem:$0x3FB4] =	sst s10  }
0x32: {  	s10 =	sld [smem:$0x3FB2];
	_ =	sdelay $0x3  }
0x33: {  	p0 =	seq.s32 s10, $0x1;
	s10 =	sld [smem:$0x3FB4];
	_ =	sdelay $0x3  }
0x34: {  	[smem:$0x3FB4] =	sst s10  }
0x35: {  	s10 =	sld [smem:$0x3FB3];
	_ =	sdelay $0x3  }
0x36: {  	p1 =	seq.s32 s10, $0x1;
	s10 =	sld [smem:$0x3FB4];
	_ =	sdelay $0x3  }
0x37: {  	[smem:$0x3FB4] =	sst s10  }
0x38: {  	s10 =	sld [smem:$0x3FB5]  }
0x39: {  	_ = 	snop;
	(pc) =	sbr.ind lr, $3  }
0x3a: {  	_ = 	snop  }
0x3b: {  	_ = 	snop  }
0x3c: {  	p2 =	seq.s32 s10, $0x1;
	s10 =	sld [smem:$0x3FB4]  }
0x3d: {  	_ =	shalt  }
0x3e: {  	_ =	shalt  }
0x3f: {  	_ =	shalt  }
0x40: {  	_ =	shalt  }
0x41: {  	_ =	shalt  }
0x42: {  	_ =	shalt  }
0x43: {  	_ =	shalt  }
0x44: {  	_ =	shalt  }
0x45: {  	_ =	shalt  }
0x46: {  	_ =	shalt  }
0x47: {  	_ =	shalt  }
0x48: {  	_ =	shalt  }
0x49: {  	_ =	shalt  }
0x4a: {  	_ =	shalt  }
0x4b: {  	_ =	shalt  }
0x4c: {  	_ =	shalt  }
0x4d: {  	_ =	shalt  }
0x4e: {  	_ =	shalt  }
0x4f: {  	_ =	shalt  }
0x50: {  	_ =	shalt  }
0x51: {  	_ =	shalt  }
0x52: {  	_ =	shalt  }
0x53: {  	_ =	shalt  }
0x54: {  	_ =	shalt  }
0x55: {  	_ =	shalt  }
0x56: {  	_ =	shalt  }
0x57: {  	_ =	shalt  }
0x58: {  	_ =	shalt  }
0x59: {  	_ =	shalt  }
0x5a: {  	_ =	shalt  }
0x5b: {  	_ =	shalt  }
0x5c: {  	_ =	shalt  }
0x5d: {  	_ =	shalt  }
0x5e: {  	_ =	shalt  }
0x5f: {  	_ =	shalt  }
0x60: {  	_ =	shalt  }
0x61: {  	_ =	shalt  }
0x62: {  	_ =	shalt  }
0x63: {  	_ =	shalt  }
0x64: {  	_ =	shalt  }
0x65: {  	_ =	shalt  }
0x66: {  	_ =	shalt  }
0x67: {  	_ =	shalt  }
0x68: {  	_ =	shalt  }
0x69: {  	_ =	shalt  }
0x6a: {  	_ =	shalt  }
0x6b: {  	_ =	shalt  }
0x6c: {  	_ =	shalt  }
0x6d: {  	_ =	shalt  }
0x6e: {  	_ =	shalt  }
0x6f: {  	_ =	shalt  }
0x70: {  	_ =	shalt  }
0x71: {  	_ =	shalt  }
0x72: {  	_ =	shalt  }
0x73: {  	_ =	shalt  }
0x74: {  	_ =	shalt  }
0x75: {  	_ =	shalt  }
0x76: {  	_ =	shalt  }
0x77: {  	_ =	shalt  }
0x78: {  	_ =	shalt  }
0x79: {  	_ =	shalt  }
0x7a: {  	_ =	shalt  }
0x7b: {  	_ =	shalt  }
0x7c: {  	_ =	shalt  }
0x7d: {  	_ =	shalt  }
0x7e: {  	_ =	shalt  }
0x7f: {  	_ =	shalt  }
0x80: {  	_ =	shalt  }
0x81: {  	_ =	shalt  }
0x82: {  	_ =	shalt  }
0x83: {  	_ =	shalt  }
0x84: {  	_ =	shalt  }
0x85: {  	_ =	shalt  }
0x86: {  	_ =	shalt  }
0x87: {  	_ =	shalt  }
.Lfunc_end0:
.L_simem_size_0:
called_computation.1_lowered:
.L_overlay_start_0:
0x88: {  	s2 =	sld [smem:$0x3FD9]  }
0x89: {  	s3 =	sld [smem:$0x3FFE];
	_ =	sdelay $0x1  }
0x8a: {  	s1 =	srdreg.scid  }
0x8b: {  	s0 =	sand.u32 $0x1, s1  }
0x8c: {  	s17 =	sshll.u32 s0, $0xA;
	s2 =	sadd.s32 s3, s2  }
0x8d: {  	s2 =	sadd.s32 s2, s17  }
0x8e: {  	[smem:$0x3FC0] =	sst s2  }
0x8f: {  	_ = 	snop  }
0x90: {  	s2 =	sld [smem:$0x3FD0];
	(tm) =	ssettm $0x1  }
0x91: {  	s18 =	sld [smem:$0x3FFB];
	_ =	sdelay $0x3  }
0x92: {  	_ =	strace s18  }
0x93: {  	s3 =	sld [smem:$0x3FFC];
	_ =	sdelay $0x3  }
0x94: {  	_ =	strace s3  }
0x95: {  	s3 =	sld [smem:$0x3FFD];
	_ =	sdelay $0x3  }
0x96: {  	_ =	strace s3  }
0x97: {  	_ =	strace $0x8FFFFFFF  }
0x98: {  	s19 =	sld [smem:$0x3FDB];
	_ =	sdelay $0x1  }
0x99: {  	s4 =	simm.s32 $_scs_section_size  }
0x9a: {  	s5 =	simm.s32 $_size__tile_overlayer_lowered;
	s6 =	simm.s32 $_tile_overlayer_lowered  }
0x9b: {  	s22 =	simm.s32 $0x1BFF;
	s21 =	sshll.u32 s6, $0x1;
	s3 =	sadd.s32 s4, s19  }
0x9c: {  	s7 =	simm.s32 $0x0;
	s20 =	sshll.u32 s5, $0x1;
	s5 =	sadd.s32 s21, s3  }
0x9d: {  	[timem:s7], [sflag:s22] =	dma.local [hbm:s5], s20  }
0x9e: {  	_ =	swait.ge [sflag:s22], s20  }
0x9f: {  	s4 =	ssub.s32 $0x0, s20;
	[sflag:s22] =	ssyncset.done $0x0  }
0xa0: {  	[sflag:s22] =	ssyncadd.s32 s4;
	_ =	sdelay $0x1  }
0xa1: {  	s23 =	simm.s32 $0x1B8B  }
0xa2: {  	_ =	swait.ge [sflag:s23], $0x1  }
0xa3: {  	[sflag:s23] =	ssyncset.done $0x0  }
0xa4: {  	s25 =	simm.s32 $0x1B8E;
	s24 =	sld [smem:$0x3FFE];
	[sflag:s23] =	ssyncadd.s32 $0xFFFFFFFF  }
0xa5: {  	s26 =	simm.s32 $execute0_lowered;
	[smem:$0x3FD2] =	sst s25  }
0xa6: {  	s5 =	sshll.u32 s26, $0x1;
	_ =	strace $0x80000049;
	[dreg:$0x1] =	wrdreg $0xFFFFFFFF  }
0xa7: {  	s28 =	simm.s32 $_size_execute0_lowered;
	s3 =	sadd.s32 s3, s5;
	[dreg:$0x0] =	wrdreg $0x0  }
0xa8: {  	s5 =	sshll.u32 s28, $0x1;
	[dreg:$0x2] =	wrdreg s3  }
0xa9: {  	[dreg:$0x3] =	wrdreg s5  }
0xaa: {  	[dreg:$0x4] =	wrdreg $0xC0  }
0xab: {  	_ =	task [dreg:s7], $0x5FFFF  }
0xac: {  	[dreg:$0x1] =	wrdreg $0xFFFFFFFF  }
0xad: {  	[dreg:$0x0] =	wrdreg $0x60  }
0xae: {  	[dreg:$0x2] =	wrdreg s24  }
0xaf: {  	[dreg:$0x3] =	wrdreg s2  }
0xb0: {  	[dreg:$0x4] =	wrdreg $0x68000  }
0xb1: {  	[dreg:$0x5] =	wrdreg $0x9  }
0xb2: {  	_ =	task.clear_ibuf [dreg:s7], $0x6FFFF;
	_ =	strace $0x90000049  }
0xb3: {  	s29 =	simm.s32 $0x9;
	_ =	strace $0x8000004B  }
0xb4: {  	_ =	swait.ge [sflag:s29], $0x1  }
0xb5: {  	[sflag:s29] =	ssyncadd.s32 $0xFFFFFFFF  }
0xb6: {  	_ =	strace $0x9000004B  }
0xb7: {  	_ =	sfence  }
0xb8: {  	s30 =	sld [smem:$0x0];
	_ =	sdelay $0x2  }
0xb9: {  	s31 =	sshll.u32 s1, $0xD;
	s1 =	sshrl.u32 s1, $0x2  }
0xba: {  	s3 =	sand.u32 $0x4000, s31;
	s1 =	sadd.s32 s1, s30  }
0xbb: {  	s0 =	sor.u32 s3, s0;
	s1 =	sshll.u32 s1, $0x11  }
0xbc: {  	s0 =	sor.u32 s1, s0  }
0xbd: {  	s0 =	sadd.s32 $0x8F2B, s0  }
0xbe: {  	[sflag:s0] =	ssyncadd.remote.s32 $0x1  }
0xbf: {  	_ =	sfence.sel $0xFFFF  }
0xc0: {  	[dreg:$0x0] =	wrdreg $0xFFFFFFFF;
	(pc) =	sbr.abs _section_cstart, $3  }
0xc1: {  	[dreg:$0x1] =	wrdreg $0xFFFFFFFF  }
0xc2: {  	_ =	task.clear_ibuf [dreg:s7], $0x2FFFF;
	_ =	strace $0x9FFFFFFF  }
0xc3: {  	(tm) =	ssettm $0x7FFFFFFF  }
tec
execute0_lowered:
.L_overlay_start_1:
0x0: {  	(tag) =	ssettag $0x1  }
0x1: {  	s0 =	rddreg [dreg:$0x0]  }
0x2: {  	s1 =	rddreg [dreg:$0x1]  }
0x3: {  	s2 =	rddreg [dreg:$0x2];
	s3 =	simm.s32 $0x0;
	s6 =	stileid.u32  }
0x4: {  	s8 =	srdreg.scid;
	s28 =	simm.s32 $0x200;
	s29 =	simm.s32 $0x1  }
0x5: {  	s30 =	simm.s32 $0x3;
	s31 =	simm.s32 $0x0;
	[smem:$0x7FF] =	sst s3  }
0x6: {  	s7 =	smul.u32 $0x13800, s6;
	s4 =	sadd.s32 $0xC200, s0;
	s5 =	sadd.s32 $0x2400, s0  }
0x7: {  	s9 =	sand.u32 $0x1, s8;
	s11 =	smul.u32 $0x4E000, s6;
	s15 =	sadd.s32 $0x5A600, s0  }
0x8: {  	s20 =	sshll.u32 s6, $0x6;
	s22 =	sadd.s32 $0x138000, s2;
	s16 =	smul.u32 $0x2710, s6  }
0x9: {  	p0 =	sne.s32 s6, $0x0;
	_ =	strace $0x8000004A;
	s10 =	ssub.s32 $0x2, s9  }
0xa: {  	s19 =	sshll.u32 s9, $0x4;
	[dreg:$0x6] =	wrdreg s22;
	s23 =	smul.u32 $0x138800, s9  }
0xb: {  	s9 =	smul.u32 $0x27100, s9;
	s22 =	simm.s32 $0x100;
	s18 =	sshrl.u32 s7, $0x3  }
0xc: {  	s12 =	sshrl.u32 s10, $0x1;
	s11 =	sshrl.u32 s11, $0x2;
	s8 =	sadd.s32 s18, s0  }
0xd: {  	s17 =	ssub.s32 s10, s12;
	s10 =	sor.u32 s6, s19;
	s11 =	sadd.s32 s11, s2  }
0xe: {  	s0 =	sadd.s32 $0x5A400, s0;
	s7 =	sadd.s32 s7, s23;
	s9 =	sadd.s32 s16, s9  }
0xf: {  	[dreg:$0x4] =	wrdreg s11;
	s8 =	sadd.s32 $0x33400, s8;
	s21 =	smul.u32 $0x2710, s10  }
0x10: {  	[dreg:$0x7] =	wrdreg s0;
	s0 =	sshrl.u32 s23, $0x3;
	s7 =	sshrl.u32 s7, $0x3  }
0x11: {  	s18 =	sadd.s32 $0xC8, s9;
	s17 =	smax.u32 s17, $0x1;
	s9 =	sadd.s32 $0x190, s9  }
0x12: {  	s23 =	simm.s32 $0x2;
	[dreg:$0x5] =	wrdreg s8;
	s8 =	sor.u32 $0x1C04, s20  }
0x13: {  	s0 =	sadd.s32 s15, s0;
	s15 =	sadd.s32 s15, s7;
	s26 =	sshrl.u32 s18, $0x3  }
0x14: {  	s24 =	sshrl.u32 s21, $0x3;
	s13 =	sadd.s32 $0x2648, s21;
	s16 =	sadd.s32 $0x27000, s0  }
0x15: {  	s19 =	sadd.s32 s26, s5;
	s20 =	sadd.s32 s26, s1;
	s21 =	simm.s32 $0x4  }
0x16: {  	s26 =	simm.s32 $0xC8;
	s25 =	sadd.s32 s1, s24;
	s14 =	sshrl.u32 s13, $0x3  }
0x17: {  	s12 =	sadd.s32 s5, s24;
	s24 =	simm.s32 $0x6600;
	[dreg:$0x8] =	wrdreg s25  }
0x18: {  	s13 =	sadd.s32 s1, s14;
	s14 =	sadd.s32 s5, s14;
	s25 =	simm.s32 $0x6700  }
.LBB2_1:
0x19: {  	s0 =	rddreg [dreg:$0x4]  }
0x1a: {  	s6 =	rddreg [dreg:$0x5];
	s0 =	sshrl.u32 s0, $0x3  }
0x1b: {  	[spmem:s0], [sflag:s8] =	dma.local [hbm:s6], $0x2700  }
0x1c: {  	_ =	swait.ge [sflag:s21], $0x2700  }
0x1d: {  	[sflag:s21] =	ssyncset.done $0x0;
	s6 =	rddreg [dreg:$0x6]  }
0x1e: {  	s7 =	rddreg [dreg:$0x7];
	[sflag:s21] =	ssyncadd.s32 $0xFFFFD900;
	s6 =	sshrl.u32 @!p0 s6, $0x3  }
0x1f: {  	[spmem:s6], [sflag:s8] =	dma.local @!p0 [hbm:s7], $0x100  }
0x20: {  	s7 =	simm.s32 @!p0 $0x4  }
0x21: {  	_ =	swait.ge @!p0 [sflag:s7], $0x100  }
0x22: {  	[sflag:s7] =	ssyncset.done @!p0 $0x0  }
0x23: {  	s11 =	rddreg [dreg:$0x8];
	[sflag:s7] =	ssyncadd.s32 @!p0 $0xFFFFFF00  }
0x24: {  	[tilespmem:s3], [sflag:$0x2] =	stream.linear.gather [hbm4b:s11+s3], $0xC8, $0x38;
	[tilespmem:$0x1A480] =	vst v63  }
0x25: {  	_ = 	snop  }
0x26: {  	[tilespmem:s22], [sflag:$0x2] =	stream.linear.gather [hbm4b:s12+s3], $0xC8, $0x38;
	[tilespmem:$0x1A480] =	vst v63  }
0x27: {  	_ =	swait.ge [sflag:s23], $0xC8  }
0x28: {  	[sflag:s23] =	ssyncset.done $0x0  }
0x29: {  	[sflag:s23] =	ssyncadd.s32 $0xFFFFFF38  }
0x2a: {  	_ =	swait.ge [sflag:s23], $0xC8  }
0x2b: {  	[sflag:s23] =	ssyncset.done $0x0  }
0x2c: {  	s18 =	sadd.s32 $0x0, s20;
	[sflag:s23] =	ssyncadd.s32 $0xFFFFFF38  }
0x2d: {  	[tilespmem:s24], [sflag:$0x3] =	stream.linear.gather [hbm4b:s18+s3], $0xC8, $0x38;
	[tilespmem:$0x1A480] =	vst v63  }
0x2e: {  	s10 =	sadd.s32 $0x0, s19  }
0x2f: {  	[tilespmem:s25], [sflag:$0x3] =	stream.linear.gather [hbm4b:s10+s3], $0xC8, $0x38;
	[tilespmem:$0x1A480] =	vst v63  }
0x30: {  	_ = 	snop  }
0x31: {  	[tilespmem:s28], [sflag:$0x1] =	stream.indirect.gather [hbm4b:s4+s26], $0x80, s3, s26, $0xb8;
	[tilespmem:$0x1A480] =	vst v63  }
0x32: {  	_ =	swait.ge [sflag:s29], $0x6400  }
0x33: {  	[sflag:s29] =	ssyncset.done $0x0  }
0x34: {  	[sflag:s29] =	ssyncadd.s32 $0xFFFF9C00  }
0x35: {  	[spmem:s2] =	stream.indirect.scatter.add.f32 [tilespmem:s28], [sflag:$0x4], $0x80, s22, s26, $0xb8;
	[tilespmem:$0x1A480] =	vst v63  }
0x36: {  	_ =	swait.ge [sflag:s21], $0x6400  }
0x37: {  	[sflag:s21] =	ssyncset.done $0x0  }
0x38: {  	[sflag:s21] =	ssyncadd.s32 $0xFFFF9C00  }
0x39: {  	_ =	swait.ge [sflag:s30], $0xC8  }
0x3a: {  	[sflag:s30] =	ssyncset.done $0x0  }
0x3b: {  	[sflag:s30] =	ssyncadd.s32 $0xFFFFFF38  }
0x3c: {  	_ =	swait.ge [sflag:s30], $0xC8  }
0x3d: {  	s11 =	sshrl.u32 s9, $0x3;
	[sflag:s30] =	ssyncset.done $0x0  }
0x3e: {  	s18 =	sadd.s32 s1, s11;
	[sflag:s30] =	ssyncadd.s32 $0xFFFFFF38  }
0x3f: {  	[tilespmem:s3], [sflag:$0x2] =	stream.linear.gather [hbm4b:s18+s3], $0xC8, $0x38;
	[tilespmem:$0x1A480] =	vst v63  }
0x40: {  	s7 =	sadd.s32 s5, s11  }
0x41: {  	[tilespmem:s22], [sflag:$0x2] =	stream.linear.gather [hbm4b:s7+s3], $0xC8, $0x38;
	[tilespmem:$0x1A480] =	vst v63  }
0x42: {  	_ = 	snop  }
0x43: {  	[tilespmem:s28], [sflag:$0x1] =	stream.indirect.gather [hbm4b:s4+s26], $0x80, s24, s26, $0xb8;
	[tilespmem:$0x1A480] =	vst v63  }
0x44: {  	_ =	swait.ge [sflag:s29], $0x6400  }
0x45: {  	[sflag:s29] =	ssyncset.done $0x0  }
0x46: {  	[sflag:s29] =	ssyncadd.s32 $0xFFFF9C00  }
0x47: {  	[spmem:s2] =	stream.indirect.scatter.add.f32 [tilespmem:s28], [sflag:$0x4], $0x80, s25, s26, $0xb8;
	[tilespmem:$0x1A480] =	vst v63  }
0x48: {  	_ =	swait.ge [sflag:s21], $0x6400  }
0x49: {  	s18 =	smov.u32 s9;
	s7 =	simm.s32 $0x32;
	[sflag:s21] =	ssyncset.done $0x0  }
.LBB2_2:
0x4a: {  	p1 =	sne.s32 s7, $0x47E;
	[sflag:s21] =	ssyncadd.s32 $0xFFFF9C00;
	s18 =	sadd.s32 $0x190, s18  }
0x4b: {  	s10 =	smov.u32 s7;
	s7 =	sadd.s32 $0x32, s7;
	_ =	swait.ge [sflag:s23], $0xC8  }
0x4c: {  	[sflag:s23] =	ssyncset.done $0x0  }
0x4d: {  	[sflag:s23] =	ssyncadd.s32 $0xFFFFFF38  }
0x4e: {  	_ =	swait.ge [sflag:s23], $0xC8  }
0x4f: {  	[sflag:s23] =	ssyncset.done $0x0  }
0x50: {  	s11 =	sadd.s32 s10, s20;
	[sflag:s23] =	ssyncadd.s32 $0xFFFFFF38  }
0x51: {  	[tilespmem:s24], [sflag:$0x3] =	stream.linear.gather [hbm4b:s11+s3], $0xC8, $0x38;
	[tilespmem:$0x1A480] =	vst v63  }
0x52: {  	s10 =	sadd.s32 s10, s19  }
0x53: {  	[tilespmem:s25], [sflag:$0x3] =	stream.linear.gather [hbm4b:s10+s3], $0xC8, $0x38;
	[tilespmem:$0x1A480] =	vst v63  }
0x54: {  	_ = 	snop  }
0x55: {  	[tilespmem:s28], [sflag:$0x1] =	stream.indirect.gather [hbm4b:s4+s26], $0x80, s3, s26, $0xb8;
	[tilespmem:$0x1A480] =	vst v63  }
0x56: {  	_ =	swait.ge [sflag:s29], $0x6400  }
0x57: {  	[sflag:s29] =	ssyncset.done $0x0  }
0x58: {  	[sflag:s29] =	ssyncadd.s32 $0xFFFF9C00  }
0x59: {  	[spmem:s2] =	stream.indirect.scatter.add.f32 [tilespmem:s28], [sflag:$0x4], $0x80, s22, s26, $0xb8;
	[tilespmem:$0x1A480] =	vst v63  }
0x5a: {  	_ =	swait.ge [sflag:s21], $0x6400  }
0x5b: {  	[sflag:s21] =	ssyncset.done $0x0  }
0x5c: {  	[sflag:s21] =	ssyncadd.s32 $0xFFFF9C00  }
0x5d: {  	_ =	swait.ge [sflag:s30], $0xC8  }
0x5e: {  	[sflag:s30] =	ssyncset.done $0x0  }
0x5f: {  	[sflag:s30] =	ssyncadd.s32 $0xFFFFFF38  }
0x60: {  	_ =	swait.ge [sflag:s30], $0xC8  }
0x61: {  	s10 =	sshrl.u32 s18, $0x3;
	[sflag:s30] =	ssyncset.done $0x0  }
0x62: {  	s11 =	sadd.s32 s1, s10;
	[sflag:s30] =	ssyncadd.s32 $0xFFFFFF38  }
0x63: {  	[tilespmem:s3], [sflag:$0x2] =	stream.linear.gather [hbm4b:s11+s3], $0xC8, $0x38;
	[tilespmem:$0x1A480] =	vst v63  }
0x64: {  	s10 =	sadd.s32 s5, s10  }
0x65: {  	[tilespmem:s22], [sflag:$0x2] =	stream.linear.gather [hbm4b:s10+s3], $0xC8, $0x38;
	[tilespmem:$0x1A480] =	vst v63  }
0x66: {  	_ = 	snop  }
0x67: {  	[tilespmem:s28], [sflag:$0x1] =	stream.indirect.gather [hbm4b:s4+s26], $0x80, s24, s26, $0xb8;
	[tilespmem:$0x1A480] =	vst v63  }
0x68: {  	_ =	swait.ge [sflag:s29], $0x6400  }
.Ltmp0:
0x69: {  	[sflag:s29] =	ssyncset.done $0x0;
	(pc) =	sbr.rel @p1 .LBB2_2-.Ltmp0, $4  }
0x6a: {  	[sflag:s29] =	ssyncadd.s32 $0xFFFF9C00  }
0x6b: {  	[spmem:s2] =	stream.indirect.scatter.add.f32 [tilespmem:s28], [sflag:$0x4], $0x80, s25, s26, $0xb8;
	[tilespmem:$0x1A480] =	vst v63  }
0x6c: {  	_ =	swait.ge [sflag:s21], $0x6400  }
0x6d: {  	[sflag:s21] =	ssyncset.done $0x0  }
0x6e: {  	[sflag:s21] =	ssyncadd.s32 $0xFFFF9C00  }
0x6f: {  	_ =	swait.ge [sflag:s23], $0xC8  }
0x70: {  	[sflag:s23] =	ssyncset.done $0x0  }
0x71: {  	[sflag:s23] =	ssyncadd.s32 $0xFFFFFF38  }
0x72: {  	_ =	swait.ge [sflag:s23], $0xC8  }
0x73: {  	[sflag:s23] =	ssyncset.done $0x0  }
0x74: {  	[sflag:s23] =	ssyncadd.s32 $0xFFFFFF38  }
0x75: {  	[tilespmem:s24], [sflag:$0x3] =	stream.linear.gather [hbm4b:s13+s3], $0xC8, $0x38;
	[tilespmem:$0x1A480] =	vst v63  }
0x76: {  	_ = 	snop  }
0x77: {  	[tilespmem:s25], [sflag:$0x3] =	stream.linear.gather [hbm4b:s14+s3], $0xC8, $0x38;
	[tilespmem:$0x1A480] =	vst v63  }
0x78: {  	_ = 	snop  }
0x79: {  	[tilespmem:s28], [sflag:$0x1] =	stream.indirect.gather [hbm4b:s4+s26], $0x80, s3, s26, $0xb8;
	[tilespmem:$0x1A480] =	vst v63  }
0x7a: {  	_ =	swait.ge [sflag:s29], $0x6400  }
0x7b: {  	[sflag:s29] =	ssyncset.done $0x0  }
0x7c: {  	[sflag:s29] =	ssyncadd.s32 $0xFFFF9C00  }
0x7d: {  	[spmem:s2] =	stream.indirect.scatter.add.f32 [tilespmem:s28], [sflag:$0x4], $0x80, s22, s26, $0xb8;
	[tilespmem:$0x1A480] =	vst v63  }
0x7e: {  	_ =	swait.ge [sflag:s21], $0x6400  }
0x7f: {  	[sflag:s21] =	ssyncset.done $0x0  }
0x80: {  	[sflag:s21] =	ssyncadd.s32 $0xFFFF9C00  }
0x81: {  	_ =	swait.ge [sflag:s30], $0xC8  }
0x82: {  	[sflag:s30] =	ssyncset.done $0x0  }
0x83: {  	[sflag:s30] =	ssyncadd.s32 $0xFFFFFF38  }
0x84: {  	_ =	swait.ge [sflag:s30], $0xC8  }
0x85: {  	[sflag:s30] =	ssyncset.done $0x0  }
0x86: {  	[sflag:s30] =	ssyncadd.s32 $0xFFFFFF38  }
0x87: {  	[tilespmem:s28], [sflag:$0x1] =	stream.indirect.gather [hbm4b:s4+s26], $0x80, s24, s26, $0xb8;
	[tilespmem:$0x1A480] =	vst v63  }
0x88: {  	_ =	swait.ge [sflag:s29], $0x6400  }
0x89: {  	[sflag:s29] =	ssyncset.done $0x0  }
0x8a: {  	[sflag:s29] =	ssyncadd.s32 $0xFFFF9C00  }
0x8b: {  	[spmem:s2] =	stream.indirect.scatter.add.f32 [tilespmem:s28], [sflag:$0x4], $0x80, s25, s26, $0xb8;
	[tilespmem:$0x1A480] =	vst v63  }
0x8c: {  	_ =	swait.ge [sflag:s21], $0x6400  }
0x8d: {  	[sflag:s21] =	ssyncset.done $0x0  }
0x8e: {  	[sflag:s21] =	ssyncadd.s32 $0xFFFF9C00  }
0x8f: {  	[bflag:$0x0] =	sbarrier.arrive $0xFFFF  }
0x90: {  	[hbm:s15], [sflag:s8] =	dma.local [spmem:s0], $0x2700  }
0x91: {  	s31 =	sadd.s32 $0x1, s31;
	_ =	swait.ge [sflag:s21], $0x2700  }
0x92: {  	p1 =	sne.s32 s31, s17;
	[sflag:s21] =	ssyncset.done $0x0  }
.Ltmp1:
0x93: {  	s0 =	simm.s32 @!p0 $0x4;
	[sflag:s21] =	ssyncadd.s32 $0xFFFFD900;
	(pc) =	sbr.rel @p1 .LBB2_1-.Ltmp1, $4  }
0x94: {  	[hbm:s16], [sflag:s8] =	dma.local @!p0 [spmem:s6], $0x100  }
0x95: {  	_ =	swait.ge @!p0 [sflag:s0], $0x100  }
0x96: {  	[sflag:s0] =	ssyncset.done @!p0 $0x0  }
0x97: {  	[sflag:s0] =	ssyncadd.s32 @!p0 $0xFFFFFF00  }
0x98: {  	_ =	sfence.sel $0x180000  }
0x99: {  	[bflag:$0x0] =	sbarrier.arrive $0xFFFF  }
0x9a: {  	_ =	strace $0x9000004A  }
0x9b: {  	[bflag:$0x2] =	sbarrier.arrive $0xFFFF  }
0x9c: {  	s0 =	rddreg [dreg:$0x3]  }
0x9d: {  	s0 =	sadd.s32 @!p0 $0x100000, s0  }
0x9e: {  	[sflag:s0] =	ssyncadd.tile.s32 @!p0 $0x1;
	_ =	shalt  }
.Lfunc_end2:
_tile_overlayer_lowered:
.L_overlay_start_2:
0x9f: {  	(tag) =	ssettag $0x2  }
0xa0: {  	s0 =	rddreg [dreg:$0x0];
	s2 =	stileid.u32  }
0xa1: {  	s1 =	rddreg [dreg:$0x1];
	p0 =	sne.s32 s2, $0x0  }
0xa2: {  	s3 =	rddreg [dreg:$0x2];
	[bflag:$0x3] =	sbarrier.arrive $0xFFFF;
	s2 =	simm.s32 @!p0 $0x1C04  }
0xa3: {  	[timem:s3], [sflag:s2] =	dma.local @!p0 [hbm:s0], s1  }
0xa4: {  	s0 =	simm.s32 @!p0 $0x4  }
0xa5: {  	_ =	swait.ge @!p0 [sflag:s0], s1  }
0xa6: {  	s1 =	ssub.s32 @!p0 $0x0, s1;
	[sflag:s0] =	ssyncset.done @!p0 $0x0  }
0xa7: {  	[sflag:s0] =	ssyncadd.s32 @!p0 s1  }
0xa8: {  	[bflag:$0x3] =	sbarrier.arrive $0xFFFF  }
0xa9: {  	_ =	shalt  }

// kernel: kernel.14.cloned.1.call-start
scs
__scs_entry_jumppad:
0x0: {  	(pc) =	sbr.rel $0x88, $3  }
0x1: {  	(tag) =	ssettag $0x0;
	lr =	simm.s32 $0x1  }
0x2: {  	[smem:$0x3F99] =	sst lr;
	_ =	strace $0xD0000000  }
0x3: {  	_ = 	snop  }
0x4: {  	_ = 	snop  }
0x5: {  	_ = 	snop  }
0x6: {  	_ = 	snop  }
0x7: {  	_ = 	snop  }
__scs_overlays_trampoline_lowered:
0x8: {  	[smem:$0x3FA8] =	sst s0  }
0x9: {  	[smem:$0x3FA9] =	sst s1  }
0xa: {  	[smem:$0x3FAA] =	sst s2  }
0xb: {  	[smem:$0x3FAB] =	sst s3  }
0xc: {  	[smem:$0x3FAC] =	sst s4  }
0xd: {  	[smem:$0x3FAD] =	sst s5  }
0xe: {  	[smem:$0x3FAE] =	sst s6  }
0xf: {  	[smem:$0x3FAF] =	sst s7  }
0x10: {  	[smem:$0x3FB0] =	sst s8  }
0x11: {  	[smem:$0x3FB1] =	sst s9;
	s0 =	simm.s32 @!p0 $0x0  }
0x12: {  	s1 =	sld [smem:$0x3F97];
	s0 =	simm.s32 @p0 $0x1  }
0x13: {  	[smem:$0x3FB2] =	sst s0;
	s0 =	simm.s32 @!p1 $0x0  }
0x14: {  	s2 =	sld [smem:$0x3F96];
	s0 =	simm.s32 @p1 $0x1  }
0x15: {  	[smem:$0x3FB3] =	sst s0;
	s0 =	simm.s32 @!p2 $0x0  }
0x16: {  	s3 =	sld [smem:$0x3FDB];
	s0 =	simm.s32 @p2 $0x1  }
0x17: {  	s4 =	simm.s32 $0x1BF5;
	[smem:$0x3FB5] =	sst s0  }
0x18: {  	s0 =	sld [smem:$0x3F98];
	_ =	swait.ge [sflag:s4], $0x0  }
0x19: {  	s7 =	sld [smem:$0x3F99]  }
0x1a: {  	s8 =	sadd.s32 $0xFFFFE003, lr  }
0x1b: {  	s9 =	sadd.s32 $0xFFFFFEF7, lr;
	s5 =	simm.s32 $0xFFFFFFFF;
	p2 =	slt.u32 s8, $0xFFFFF086  }
0x1c: {  	p1 =	slt.u32 s9, $0xF7A;
	s5 =	simm.s32 @!p2 $0x0  }
0x1d: {  	s5 =	simm.s32 @p1 $0x1;
	p0 =	seq.s32 s7, s2  }
0x1e: {  	s7 =	smul.u32 @!p0 $0xF7A, s2;
	p2 =	seq.s32 @!p0 s5, $0x0  }
0x1f: {  	s9 =	smul.u32 $0xF7A, s1;
	s8 =	simm.s32 @!p0 $0x1BF5;
	p2 =	por !p2, p0  }
0x20: {  	[sflag:s8] =	ssyncset.s32 @!p0 $0xFFFFF086;
	s6 =	sadd.s32 @!p0 s3, s7;
	s7 =	simm.s32 @!p0 $0x108  }
0x21: {  	s3 =	sadd.s32 s3, s9;
	s6 =	sadd.s32 @!p0 $0x88, s6;
	s7 =	simm.s32 @p2 $0x1082  }
0x22: {  	[simem:s7], [sflag:s8] =	dma.local @!p0 [hbm:s6], $0xF7A  }
0x23: {  	s9 =	sor.u32 $0xD0000000, s2;
	s6 =	simm.s32 $0x108;
	_ =	swait.ge @!p0 [sflag:s8], $0x0  }
0x24: {  	s3 =	sadd.s32 $0x88, s3;
	s6 =	simm.s32 @!p1 $0x1082;
	[sflag:s4] =	ssyncset.s32 $0xFFFFF086  }
0x25: {  	[simem:s6], [sflag:s4] =	dma.local [hbm:s3], $0xF7A  }
0x26: {  	[smem:$0x3F99] =	sst s1;
	(tag) =	ssettag s2;
	_ =	strace s9  }
0x27: {  	s1 =	sld [smem:$0x3FA9]  }
0x28: {  	s2 =	sld [smem:$0x3FAA]  }
0x29: {  	s4 =	sld [smem:$0x3FAC]  }
0x2a: {  	p0 =	seq.s32 s5, $0x0;
	s5 =	sld [smem:$0x3FAD]  }
0x2b: {  	s6 =	sld [smem:$0x3FAE]  }
0x2c: {  	s7 =	sld [smem:$0x3FAF]  }
0x2d: {  	s3 =	simm.s32 $0x108;
	s8 =	sld [smem:$0x3FB0]  }
0x2e: {  	s3 =	simm.s32 @!p0 $0x1082;
	s9 =	sld [smem:$0x3FB1]  }
0x2f: {  	lr =	sadd.s32 s0, s3;
	s0 =	sld [smem:$0x3FA8]  }
0x30: {  	s3 =	sld [smem:$0x3FAB]  }
0x31: {  	[smem:$0x3FB4] =	sst s10  }
0x32: {  	s10 =	sld [smem:$0x3FB2];
	_ =	sdelay $0x3  }
0x33: {  	p0 =	seq.s32 s10, $0x1;
	s10 =	sld [smem:$0x3FB4];
	_ =	sdelay $0x3  }
0x34: {  	[smem:$0x3FB4] =	sst s10  }
0x35: {  	s10 =	sld [smem:$0x3FB3];
	_ =	sdelay $0x3  }
0x36: {  	p1 =	seq.s32 s10, $0x1;
	s10 =	sld [smem:$0x3FB4];
	_ =	sdelay $0x3  }
0x37: {  	[smem:$0x3FB4] =	sst s10  }
0x38: {  	s10 =	sld [smem:$0x3FB5]  }
0x39: {  	_ = 	snop;
	(pc) =	sbr.ind lr, $3  }
0x3a: {  	_ = 	snop  }
0x3b: {  	_ = 	snop  }
0x3c: {  	p2 =	seq.s32 s10, $0x1;
	s10 =	sld [smem:$0x3FB4]  }
0x3d: {  	_ =	shalt  }
0x3e: {  	_ =	shalt  }
0x3f: {  	_ =	shalt  }
0x40: {  	_ =	shalt  }
0x41: {  	_ =	shalt  }
0x42: {  	_ =	shalt  }
0x43: {  	_ =	shalt  }
0x44: {  	_ =	shalt  }
0x45: {  	_ =	shalt  }
0x46: {  	_ =	shalt  }
0x47: {  	_ =	shalt  }
0x48: {  	_ =	shalt  }
0x49: {  	_ =	shalt  }
0x4a: {  	_ =	shalt  }
0x4b: {  	_ =	shalt  }
0x4c: {  	_ =	shalt  }
0x4d: {  	_ =	shalt  }
0x4e: {  	_ =	shalt  }
0x4f: {  	_ =	shalt  }
0x50: {  	_ =	shalt  }
0x51: {  	_ =	shalt  }
0x52: {  	_ =	shalt  }
0x53: {  	_ =	shalt  }
0x54: {  	_ =	shalt  }
0x55: {  	_ =	shalt  }
0x56: {  	_ =	shalt  }
0x57: {  	_ =	shalt  }
0x58: {  	_ =	shalt  }
0x59: {  	_ =	shalt  }
0x5a: {  	_ =	shalt  }
0x5b: {  	_ =	shalt  }
0x5c: {  	_ =	shalt  }
0x5d: {  	_ =	shalt  }
0x5e: {  	_ =	shalt  }
0x5f: {  	_ =	shalt  }
0x60: {  	_ =	shalt  }
0x61: {  	_ =	shalt  }
0x62: {  	_ =	shalt  }
0x63: {  	_ =	shalt  }
0x64: {  	_ =	shalt  }
0x65: {  	_ =	shalt  }
0x66: {  	_ =	shalt  }
0x67: {  	_ =	shalt  }
0x68: {  	_ =	shalt  }
0x69: {  	_ =	shalt  }
0x6a: {  	_ =	shalt  }
0x6b: {  	_ =	shalt  }
0x6c: {  	_ =	shalt  }
0x6d: {  	_ =	shalt  }
0x6e: {  	_ =	shalt  }
0x6f: {  	_ =	shalt  }
0x70: {  	_ =	shalt  }
0x71: {  	_ =	shalt  }
0x72: {  	_ =	shalt  }
0x73: {  	_ =	shalt  }
0x74: {  	_ =	shalt  }
0x75: {  	_ =	shalt  }
0x76: {  	_ =	shalt  }
0x77: {  	_ =	shalt  }
0x78: {  	_ =	shalt  }
0x79: {  	_ =	shalt  }
0x7a: {  	_ =	shalt  }
0x7b: {  	_ =	shalt  }
0x7c: {  	_ =	shalt  }
0x7d: {  	_ =	shalt  }
0x7e: {  	_ =	shalt  }
0x7f: {  	_ =	shalt  }
0x80: {  	_ =	shalt  }
0x81: {  	_ =	shalt  }
0x82: {  	_ =	shalt  }
0x83: {  	_ =	shalt  }
0x84: {  	_ =	shalt  }
0x85: {  	_ =	shalt  }
0x86: {  	_ =	shalt  }
0x87: {  	_ =	shalt  }
.Lfunc_end0:
.L_simem_size_0:
called_computation.2_lowered:
.L_overlay_start_0:
0x88: {  	s2 =	sld [smem:$0x3FD9]  }
0x89: {  	s3 =	sld [smem:$0x3FFE];
	_ =	sdelay $0x1  }
0x8a: {  	s1 =	srdreg.scid  }
0x8b: {  	s0 =	sand.u32 $0x1, s1  }
0x8c: {  	s17 =	sshll.u32 s0, $0xA;
	s2 =	sadd.s32 s3, s2  }
0x8d: {  	s2 =	sadd.s32 s2, s17  }
0x8e: {  	[smem:$0x3FC0] =	sst s2  }
0x8f: {  	_ = 	snop  }
0x90: {  	s2 =	sld [smem:$0x3FD0];
	(tm) =	ssettm $0x1  }
0x91: {  	s18 =	sld [smem:$0x3FFB];
	_ =	sdelay $0x3  }
0x92: {  	_ =	strace s18  }
0x93: {  	s3 =	sld [smem:$0x3FFC];
	_ =	sdelay $0x3  }
0x94: {  	_ =	strace s3  }
0x95: {  	s3 =	sld [smem:$0x3FFD];
	_ =	sdelay $0x3  }
0x96: {  	_ =	strace s3  }
0x97: {  	_ =	strace $0x8FFFFFFF  }
0x98: {  	s19 =	sld [smem:$0x3FDB];
	_ =	sdelay $0x1  }
0x99: {  	s4 =	simm.s32 $_scs_section_size  }
0x9a: {  	s5 =	simm.s32 $_size__tile_overlayer_lowered;
	s6 =	simm.s32 $_tile_overlayer_lowered  }
0x9b: {  	s22 =	simm.s32 $0x1BFF;
	s21 =	sshll.u32 s6, $0x1;
	s3 =	sadd.s32 s4, s19  }
0x9c: {  	s7 =	simm.s32 $0x0;
	s20 =	sshll.u32 s5, $0x1;
	s5 =	sadd.s32 s21, s3  }
0x9d: {  	[timem:s7], [sflag:s22] =	dma.local [hbm:s5], s20  }
0x9e: {  	_ =	swait.ge [sflag:s22], s20  }
0x9f: {  	s4 =	ssub.s32 $0x0, s20;
	[sflag:s22] =	ssyncset.done $0x0  }
0xa0: {  	[sflag:s22] =	ssyncadd.s32 s4;
	_ =	sdelay $0x1  }
0xa1: {  	s23 =	simm.s32 $0x1B8B  }
0xa2: {  	_ =	swait.ge [sflag:s23], $0x1  }
0xa3: {  	[sflag:s23] =	ssyncset.done $0x0  }
0xa4: {  	s25 =	simm.s32 $0x1B8E;
	s24 =	sld [smem:$0x3FFE];
	[sflag:s23] =	ssyncadd.s32 $0xFFFFFFFF  }
0xa5: {  	s26 =	simm.s32 $execute0_lowered;
	[smem:$0x3FD2] =	sst s25  }
0xa6: {  	s5 =	sshll.u32 s26, $0x1;
	_ =	strace $0x8000004C;
	[dreg:$0x1] =	wrdreg $0xFFFFFFFF  }
0xa7: {  	s28 =	simm.s32 $_size_execute0_lowered;
	s3 =	sadd.s32 s3, s5;
	[dreg:$0x0] =	wrdreg $0x0  }
0xa8: {  	s5 =	sshll.u32 s28, $0x1;
	[dreg:$0x2] =	wrdreg s3  }
0xa9: {  	[dreg:$0x3] =	wrdreg s5  }
0xaa: {  	[dreg:$0x4] =	wrdreg $0xC0  }
0xab: {  	_ =	task [dreg:s7], $0x5FFFF  }
0xac: {  	[dreg:$0x1] =	wrdreg $0xFFFFFFFF  }
0xad: {  	[dreg:$0x0] =	wrdreg $0x60  }
0xae: {  	[dreg:$0x2] =	wrdreg s24  }
0xaf: {  	[dreg:$0x3] =	wrdreg s2  }
0xb0: {  	[dreg:$0x4] =	wrdreg $0x68000  }
0xb1: {  	[dreg:$0x5] =	wrdreg $0x9  }
0xb2: {  	_ =	task.clear_ibuf [dreg:s7], $0x6FFFF;
	_ =	strace $0x9000004C  }
0xb3: {  	s29 =	simm.s32 $0x9;
	_ =	strace $0x8000004E  }
0xb4: {  	_ =	swait.ge [sflag:s29], $0x1  }
0xb5: {  	[sflag:s29] =	ssyncadd.s32 $0xFFFFFFFF  }
0xb6: {  	_ =	strace $0x9000004E  }
0xb7: {  	_ =	sfence  }
0xb8: {  	s30 =	sld [smem:$0x0];
	_ =	sdelay $0x2  }
0xb9: {  	s31 =	sshll.u32 s1, $0xD;
	s1 =	sshrl.u32 s1, $0x2  }
0xba: {  	s3 =	sand.u32 $0x4000, s31;
	s1 =	sadd.s32 s1, s30  }
0xbb: {  	s0 =	sor.u32 s3, s0;
	s1 =	sshll.u32 s1, $0x11  }
0xbc: {  	s0 =	sor.u32 s1, s0  }
0xbd: {  	s0 =	sadd.s32 $0x8F2B, s0  }
0xbe: {  	[sflag:s0] =	ssyncadd.remote.s32 $0x1  }
0xbf: {  	_ =	sfence.sel $0xFFFF  }
0xc0: {  	[dreg:$0x0] =	wrdreg $0xFFFFFFFF;
	(pc) =	sbr.abs _section_cstart, $3  }
0xc1: {  	[dreg:$0x1] =	wrdreg $0xFFFFFFFF  }
0xc2: {  	_ =	task.clear_ibuf [dreg:s7], $0x2FFFF;
	_ =	strace $0x9FFFFFFF  }
0xc3: {  	(tm) =	ssettm $0x7FFFFFFF  }
tec
execute0_lowered:
.L_overlay_start_1:
0x0: {  	(tag) =	ssettag $0x1  }
0x1: {  	s0 =	rddreg [dreg:$0x0]  }
0x2: {  	s1 =	rddreg [dreg:$0x1]  }
0x3: {  	s2 =	rddreg [dreg:$0x2];
	s3 =	simm.s32 $0x0;
	s6 =	stileid.u32  }
0x4: {  	s8 =	srdreg.scid;
	s28 =	simm.s32 $0x200;
	s29 =	simm.s32 $0x1  }
0x5: {  	s30 =	simm.s32 $0x3;
	s31 =	simm.s32 $0x0;
	[smem:$0x7FF] =	sst s3  }
0x6: {  	s7 =	smul.u32 $0x13800, s6;
	s4 =	sadd.s32 $0xC200, s0;
	s5 =	sadd.s32 $0x2400, s0  }
0x7: {  	s9 =	sand.u32 $0x1, s8;
	s11 =	smul.u32 $0x4E000, s6;
	s15 =	sadd.s32 $0x5A600, s0  }
0x8: {  	s20 =	sshll.u32 s6, $0x6;
	s22 =	sadd.s32 $0x138000, s2;
	s16 =	smul.u32 $0x2710, s6  }
0x9: {  	p0 =	sne.s32 s6, $0x0;
	_ =	strace $0x8000004D;
	s10 =	ssub.s32 $0x2, s9  }
0xa: {  	s19 =	sshll.u32 s9, $0x4;
	[dreg:$0x6] =	wrdreg s22;
	s23 =	smul.u32 $0x138800, s9  }
0xb: {  	s9 =	smul.u32 $0x27100, s9;
	s22 =	simm.s32 $0x100;
	s18 =	sshrl.u32 s7, $0x3  }
0xc: {  	s12 =	sshrl.u32 s10, $0x1;
	s11 =	sshrl.u32 s11, $0x2;
	s8 =	sadd.s32 s18, s0  }
0xd: {  	s17 =	ssub.s32 s10, s12;
	s10 =	sor.u32 s6, s19;
	s11 =	sadd.s32 s11, s2  }
0xe: {  	s0 =	sadd.s32 $0x5A400, s0;
	s7 =	sadd.s32 s7, s23;
	s9 =	sadd.s32 s16, s9  }
0xf: {  	[dreg:$0x4] =	wrdreg s11;
	s8 =	sadd.s32 $0x33400, s8;
	s21 =	smul.u32 $0x2710, s10  }
0x10: {  	[dreg:$0x7] =	wrdreg s0;
	s0 =	sshrl.u32 s23, $0x3;
	s7 =	sshrl.u32 s7, $0x3  }
0x11: {  	s18 =	sadd.s32 $0xC8, s9;
	s17 =	smax.u32 s17, $0x1;
	s9 =	sadd.s32 $0x190, s9  }
0x12: {  	s23 =	simm.s32 $0x2;
	[dreg:$0x5] =	wrdreg s8;
	s8 =	sor.u32 $0x1C04, s20  }
0x13: {  	s0 =	sadd.s32 s15, s0;
	s15 =	sadd.s32 s15, s7;
	s26 =	sshrl.u32 s18, $0x3  }
0x14: {  	s24 =	sshrl.u32 s21, $0x3;
	s13 =	sadd.s32 $0x2648, s21;
	s16 =	sadd.s32 $0x27000, s0  }
0x15: {  	s19 =	sadd.s32 s26, s5;
	s20 =	sadd.s32 s26, s1;
	s21 =	simm.s32 $0x4  }
0x16: {  	s26 =	simm.s32 $0xC8;
	s25 =	sadd.s32 s1, s24;
	s14 =	sshrl.u32 s13, $0x3  }
0x17: {  	s12 =	sadd.s32 s5, s24;
	s24 =	simm.s32 $0x6600;
	[dreg:$0x8] =	wrdreg s25  }
0x18: {  	s13 =	sadd.s32 s1, s14;
	s14 =	sadd.s32 s5, s14;
	s25 =	simm.s32 $0x6700  }
.LBB2_1:
0x19: {  	s0 =	rddreg [dreg:$0x4]  }
0x1a: {  	s6 =	rddreg [dreg:$0x5];
	s0 =	sshrl.u32 s0, $0x3  }
0x1b: {  	[spmem:s0], [sflag:s8] =	dma.local [hbm:s6], $0x2700  }
0x1c: {  	_ =	swait.ge [sflag:s21], $0x2700  }
0x1d: {  	[sflag:s21] =	ssyncset.done $0x0;
	s6 =	rddreg [dreg:$0x6]  }
0x1e: {  	s7 =	rddreg [dreg:$0x7];
	[sflag:s21] =	ssyncadd.s32 $0xFFFFD900;
	s6 =	sshrl.u32 @!p0 s6, $0x3  }
0x1f: {  	[spmem:s6], [sflag:s8] =	dma.local @!p0 [hbm:s7], $0x100  }
0x20: {  	s7 =	simm.s32 @!p0 $0x4  }
0x21: {  	_ =	swait.ge @!p0 [sflag:s7], $0x100  }
0x22: {  	[sflag:s7] =	ssyncset.done @!p0 $0x0  }
0x23: {  	s11 =	rddreg [dreg:$0x8];
	[sflag:s7] =	ssyncadd.s32 @!p0 $0xFFFFFF00  }
0x24: {  	[tilespmem:s3], [sflag:$0x2] =	stream.linear.gather [hbm4b:s11+s3], $0xC8, $0x38;
	[tilespmem:$0x1A480] =	vst v63  }
0x25: {  	_ = 	snop  }
0x26: {  	[tilespmem:s22], [sflag:$0x2] =	stream.linear.gather [hbm4b:s12+s3], $0xC8, $0x38;
	[tilespmem:$0x1A480] =	vst v63  }
0x27: {  	_ =	swait.ge [sflag:s23], $0xC8  }
0x28: {  	[sflag:s23] =	ssyncset.done $0x0  }
0x29: {  	[sflag:s23] =	ssyncadd.s32 $0xFFFFFF38  }
0x2a: {  	_ =	swait.ge [sflag:s23], $0xC8  }
0x2b: {  	[sflag:s23] =	ssyncset.done $0x0  }
0x2c: {  	s18 =	sadd.s32 $0x0, s20;
	[sflag:s23] =	ssyncadd.s32 $0xFFFFFF38  }
0x2d: {  	[tilespmem:s24], [sflag:$0x3] =	stream.linear.gather [hbm4b:s18+s3], $0xC8, $0x38;
	[tilespmem:$0x1A480] =	vst v63  }
0x2e: {  	s10 =	sadd.s32 $0x0, s19  }
0x2f: {  	[tilespmem:s25], [sflag:$0x3] =	stream.linear.gather [hbm4b:s10+s3], $0xC8, $0x38;
	[tilespmem:$0x1A480] =	vst v63  }
0x30: {  	_ = 	snop  }
0x31: {  	[tilespmem:s28], [sflag:$0x1] =	stream.indirect.gather [hbm4b:s4+s26], $0x80, s3, s26, $0xb8;
	[tilespmem:$0x1A480] =	vst v63  }
0x32: {  	_ =	swait.ge [sflag:s29], $0x6400  }
0x33: {  	[sflag:s29] =	ssyncset.done $0x0  }
0x34: {  	[sflag:s29] =	ssyncadd.s32 $0xFFFF9C00  }
0x35: {  	[spmem:s2] =	stream.indirect.scatter.add.f32 [tilespmem:s28], [sflag:$0x4], $0x80, s22, s26, $0xb8;
	[tilespmem:$0x1A480] =	vst v63  }
0x36: {  	_ =	swait.ge [sflag:s21], $0x6400  }
0x37: {  	[sflag:s21] =	ssyncset.done $0x0  }
0x38: {  	[sflag:s21] =	ssyncadd.s32 $0xFFFF9C00  }
0x39: {  	_ =	swait.ge [sflag:s30], $0xC8  }
0x3a: {  	[sflag:s30] =	ssyncset.done $0x0  }
0x3b: {  	[sflag:s30] =	ssyncadd.s32 $0xFFFFFF38  }
0x3c: {  	_ =	swait.ge [sflag:s30], $0xC8  }
0x3d: {  	s11 =	sshrl.u32 s9, $0x3;
	[sflag:s30] =	ssyncset.done $0x0  }
0x3e: {  	s18 =	sadd.s32 s1, s11;
	[sflag:s30] =	ssyncadd.s32 $0xFFFFFF38  }
0x3f: {  	[tilespmem:s3], [sflag:$0x2] =	stream.linear.gather [hbm4b:s18+s3], $0xC8, $0x38;
	[tilespmem:$0x1A480] =	vst v63  }
0x40: {  	s7 =	sadd.s32 s5, s11  }
0x41: {  	[tilespmem:s22], [sflag:$0x2] =	stream.linear.gather [hbm4b:s7+s3], $0xC8, $0x38;
	[tilespmem:$0x1A480] =	vst v63  }
0x42: {  	_ = 	snop  }
0x43: {  	[tilespmem:s28], [sflag:$0x1] =	stream.indirect.gather [hbm4b:s4+s26], $0x80, s24, s26, $0xb8;
	[tilespmem:$0x1A480] =	vst v63  }
0x44: {  	_ =	swait.ge [sflag:s29], $0x6400  }
0x45: {  	[sflag:s29] =	ssyncset.done $0x0  }
0x46: {  	[sflag:s29] =	ssyncadd.s32 $0xFFFF9C00  }
0x47: {  	[spmem:s2] =	stream.indirect.scatter.add.f32 [tilespmem:s28], [sflag:$0x4], $0x80, s25, s26, $0xb8;
	[tilespmem:$0x1A480] =	vst v63  }
0x48: {  	_ =	swait.ge [sflag:s21], $0x6400  }
0x49: {  	s18 =	smov.u32 s9;
	s7 =	simm.s32 $0x32;
	[sflag:s21] =	ssyncset.done $0x0  }
.LBB2_2:
0x4a: {  	p1 =	sne.s32 s7, $0x47E;
	[sflag:s21] =	ssyncadd.s32 $0xFFFF9C00;
	s18 =	sadd.s32 $0x190, s18  }
0x4b: {  	s10 =	smov.u32 s7;
	s7 =	sadd.s32 $0x32, s7;
	_ =	swait.ge [sflag:s23], $0xC8  }
0x4c: {  	[sflag:s23] =	ssyncset.done $0x0  }
0x4d: {  	[sflag:s23] =	ssyncadd.s32 $0xFFFFFF38  }
0x4e: {  	_ =	swait.ge [sflag:s23], $0xC8  }
0x4f: {  	[sflag:s23] =	ssyncset.done $0x0  }
0x50: {  	s11 =	sadd.s32 s10, s20;
	[sflag:s23] =	ssyncadd.s32 $0xFFFFFF38  }
0x51: {  	[tilespmem:s24], [sflag:$0x3] =	stream.linear.gather [hbm4b:s11+s3], $0xC8, $0x38;
	[tilespmem:$0x1A480] =	vst v63  }
0x52: {  	s10 =	sadd.s32 s10, s19  }
0x53: {  	[tilespmem:s25], [sflag:$0x3] =	stream.linear.gather [hbm4b:s10+s3], $0xC8, $0x38;
	[tilespmem:$0x1A480] =	vst v63  }
0x54: {  	_ = 	snop  }
0x55: {  	[tilespmem:s28], [sflag:$0x1] =	stream.indirect.gather [hbm4b:s4+s26], $0x80, s3, s26, $0xb8;
	[tilespmem:$0x1A480] =	vst v63  }
0x56: {  	_ =	swait.ge [sflag:s29], $0x6400  }
0x57: {  	[sflag:s29] =	ssyncset.done $0x0  }
0x58: {  	[sflag:s29] =	ssyncadd.s32 $0xFFFF9C00  }
0x59: {  	[spmem:s2] =	stream.indirect.scatter.add.f32 [tilespmem:s28], [sflag:$0x4], $0x80, s22, s26, $0xb8;
	[tilespmem:$0x1A480] =	vst v63  }
0x5a: {  	_ =	swait.ge [sflag:s21], $0x6400  }
0x5b: {  	[sflag:s21] =	ssyncset.done $0x0  }
0x5c: {  	[sflag:s21] =	ssyncadd.s32 $0xFFFF9C00  }
0x5d: {  	_ =	swait.ge [sflag:s30], $0xC8  }
0x5e: {  	[sflag:s30] =	ssyncset.done $0x0  }
0x5f: {  	[sflag:s30] =	ssyncadd.s32 $0xFFFFFF38  }
0x60: {  	_ =	swait.ge [sflag:s30], $0xC8  }
0x61: {  	s10 =	sshrl.u32 s18, $0x3;
	[sflag:s30] =	ssyncset.done $0x0  }
0x62: {  	s11 =	sadd.s32 s1, s10;
	[sflag:s30] =	ssyncadd.s32 $0xFFFFFF38  }
0x63: {  	[tilespmem:s3], [sflag:$0x2] =	stream.linear.gather [hbm4b:s11+s3], $0xC8, $0x38;
	[tilespmem:$0x1A480] =	vst v63  }
0x64: {  	s10 =	sadd.s32 s5, s10  }
0x65: {  	[tilespmem:s22], [sflag:$0x2] =	stream.linear.gather [hbm4b:s10+s3], $0xC8, $0x38;
	[tilespmem:$0x1A480] =	vst v63  }
0x66: {  	_ = 	snop  }
0x67: {  	[tilespmem:s28], [sflag:$0x1] =	stream.indirect.gather [hbm4b:s4+s26], $0x80, s24, s26, $0xb8;
	[tilespmem:$0x1A480] =	vst v63  }
0x68: {  	_ =	swait.ge [sflag:s29], $0x6400  }
.Ltmp0:
0x69: {  	[sflag:s29] =	ssyncset.done $0x0;
	(pc) =	sbr.rel @p1 .LBB2_2-.Ltmp0, $4  }
0x6a: {  	[sflag:s29] =	ssyncadd.s32 $0xFFFF9C00  }
0x6b: {  	[spmem:s2] =	stream.indirect.scatter.add.f32 [tilespmem:s28], [sflag:$0x4], $0x80, s25, s26, $0xb8;
	[tilespmem:$0x1A480] =	vst v63  }
0x6c: {  	_ =	swait.ge [sflag:s21], $0x6400  }
0x6d: {  	[sflag:s21] =	ssyncset.done $0x0  }
0x6e: {  	[sflag:s21] =	ssyncadd.s32 $0xFFFF9C00  }
0x6f: {  	_ =	swait.ge [sflag:s23], $0xC8  }
0x70: {  	[sflag:s23] =	ssyncset.done $0x0  }
0x71: {  	[sflag:s23] =	ssyncadd.s32 $0xFFFFFF38  }
0x72: {  	_ =	swait.ge [sflag:s23], $0xC8  }
0x73: {  	[sflag:s23] =	ssyncset.done $0x0  }
0x74: {  	[sflag:s23] =	ssyncadd.s32 $0xFFFFFF38  }
0x75: {  	[tilespmem:s24], [sflag:$0x3] =	stream.linear.gather [hbm4b:s13+s3], $0xC8, $0x38;
	[tilespmem:$0x1A480] =	vst v63  }
0x76: {  	_ = 	snop  }
0x77: {  	[tilespmem:s25], [sflag:$0x3] =	stream.linear.gather [hbm4b:s14+s3], $0xC8, $0x38;
	[tilespmem:$0x1A480] =	vst v63  }
0x78: {  	_ = 	snop  }
0x79: {  	[tilespmem:s28], [sflag:$0x1] =	stream.indirect.gather [hbm4b:s4+s26], $0x80, s3, s26, $0xb8;
	[tilespmem:$0x1A480] =	vst v63  }
0x7a: {  	_ =	swait.ge [sflag:s29], $0x6400  }
0x7b: {  	[sflag:s29] =	ssyncset.done $0x0  }
0x7c: {  	[sflag:s29] =	ssyncadd.s32 $0xFFFF9C00  }
0x7d: {  	[spmem:s2] =	stream.indirect.scatter.add.f32 [tilespmem:s28], [sflag:$0x4], $0x80, s22, s26, $0xb8;
	[tilespmem:$0x1A480] =	vst v63  }
0x7e: {  	_ =	swait.ge [sflag:s21], $0x6400  }
0x7f: {  	[sflag:s21] =	ssyncset.done $0x0  }
0x80: {  	[sflag:s21] =	ssyncadd.s32 $0xFFFF9C00  }
0x81: {  	_ =	swait.ge [sflag:s30], $0xC8  }
0x82: {  	[sflag:s30] =	ssyncset.done $0x0  }
0x83: {  	[sflag:s30] =	ssyncadd.s32 $0xFFFFFF38  }
0x84: {  	_ =	swait.ge [sflag:s30], $0xC8  }
0x85: {  	[sflag:s30] =	ssyncset.done $0x0  }
0x86: {  	[sflag:s30] =	ssyncadd.s32 $0xFFFFFF38  }
0x87: {  	[tilespmem:s28], [sflag:$0x1] =	stream.indirect.gather [hbm4b:s4+s26], $0x80, s24, s26, $0xb8;
	[tilespmem:$0x1A480] =	vst v63  }
0x88: {  	_ =	swait.ge [sflag:s29], $0x6400  }
0x89: {  	[sflag:s29] =	ssyncset.done $0x0  }
0x8a: {  	[sflag:s29] =	ssyncadd.s32 $0xFFFF9C00  }
0x8b: {  	[spmem:s2] =	stream.indirect.scatter.add.f32 [tilespmem:s28], [sflag:$0x4], $0x80, s25, s26, $0xb8;
	[tilespmem:$0x1A480] =	vst v63  }
0x8c: {  	_ =	swait.ge [sflag:s21], $0x6400  }
0x8d: {  	[sflag:s21] =	ssyncset.done $0x0  }
0x8e: {  	[sflag:s21] =	ssyncadd.s32 $0xFFFF9C00  }
0x8f: {  	[bflag:$0x0] =	sbarrier.arrive $0xFFFF  }
0x90: {  	[hbm:s15], [sflag:s8] =	dma.local [spmem:s0], $0x2700  }
0x91: {  	s31 =	sadd.s32 $0x1, s31;
	_ =	swait.ge [sflag:s21], $0x2700  }
0x92: {  	p1 =	sne.s32 s31, s17;
	[sflag:s21] =	ssyncset.done $0x0  }
.Ltmp1:
0x93: {  	s0 =	simm.s32 @!p0 $0x4;
	[sflag:s21] =	ssyncadd.s32 $0xFFFFD900;
	(pc) =	sbr.rel @p1 .LBB2_1-.Ltmp1, $4  }
0x94: {  	[hbm:s16], [sflag:s8] =	dma.local @!p0 [spmem:s6], $0x100  }
0x95: {  	_ =	swait.ge @!p0 [sflag:s0], $0x100  }
0x96: {  	[sflag:s0] =	ssyncset.done @!p0 $0x0  }
0x97: {  	[sflag:s0] =	ssyncadd.s32 @!p0 $0xFFFFFF00  }
0x98: {  	_ =	sfence.sel $0x180000  }
0x99: {  	[bflag:$0x0] =	sbarrier.arrive $0xFFFF  }
0x9a: {  	_ =	strace $0x9000004D  }
0x9b: {  	[bflag:$0x2] =	sbarrier.arrive $0xFFFF  }
0x9c: {  	s0 =	rddreg [dreg:$0x3]  }
0x9d: {  	s0 =	sadd.s32 @!p0 $0x100000, s0  }
0x9e: {  	[sflag:s0] =	ssyncadd.tile.s32 @!p0 $0x1;
	_ =	shalt  }
.Lfunc_end2:
_tile_overlayer_lowered:
.L_overlay_start_2:
0x9f: {  	(tag) =	ssettag $0x2  }
0xa0: {  	s0 =	rddreg [dreg:$0x0];
	s2 =	stileid.u32  }
0xa1: {  	s1 =	rddreg [dreg:$0x1];
	p0 =	sne.s32 s2, $0x0  }
0xa2: {  	s3 =	rddreg [dreg:$0x2];
	[bflag:$0x3] =	sbarrier.arrive $0xFFFF;
	s2 =	simm.s32 @!p0 $0x1C04  }
0xa3: {  	[timem:s3], [sflag:s2] =	dma.local @!p0 [hbm:s0], s1  }
0xa4: {  	s0 =	simm.s32 @!p0 $0x4  }
0xa5: {  	_ =	swait.ge @!p0 [sflag:s0], s1  }
0xa6: {  	s1 =	ssub.s32 @!p0 $0x0, s1;
	[sflag:s0] =	ssyncset.done @!p0 $0x0  }
0xa7: {  	[sflag:s0] =	ssyncadd.s32 @!p0 s1  }
0xa8: {  	[bflag:$0x3] =	sbarrier.arrive $0xFFFF  }
0xa9: {  	_ =	shalt  }

// kernel: kernel.8.cloned.1.call-start
scs
__scs_entry_jumppad:
0x0: {  	(pc) =	sbr.rel $0x88, $3  }
0x1: {  	(tag) =	ssettag $0x0;
	lr =	simm.s32 $0x1  }
0x2: {  	[smem:$0x3F99] =	sst lr;
	_ =	strace $0xD0000000  }
0x3: {  	_ = 	snop  }
0x4: {  	_ = 	snop  }
0x5: {  	_ = 	snop  }
0x6: {  	_ = 	snop  }
0x7: {  	_ = 	snop  }
__scs_overlays_trampoline_lowered:
0x8: {  	[smem:$0x3FA8] =	sst s0  }
0x9: {  	[smem:$0x3FA9] =	sst s1  }
0xa: {  	[smem:$0x3FAA] =	sst s2  }
0xb: {  	[smem:$0x3FAB] =	sst s3  }
0xc: {  	[smem:$0x3FAC] =	sst s4  }
0xd: {  	[smem:$0x3FAD] =	sst s5  }
0xe: {  	[smem:$0x3FAE] =	sst s6  }
0xf: {  	[smem:$0x3FAF] =	sst s7  }
0x10: {  	[smem:$0x3FB0] =	sst s8  }
0x11: {  	[smem:$0x3FB1] =	sst s9;
	s0 =	simm.s32 @!p0 $0x0  }
0x12: {  	s1 =	sld [smem:$0x3F97];
	s0 =	simm.s32 @p0 $0x1  }
0x13: {  	[smem:$0x3FB2] =	sst s0;
	s0 =	simm.s32 @!p1 $0x0  }
0x14: {  	s2 =	sld [smem:$0x3F96];
	s0 =	simm.s32 @p1 $0x1  }
0x15: {  	[smem:$0x3FB3] =	sst s0;
	s0 =	simm.s32 @!p2 $0x0  }
0x16: {  	s3 =	sld [smem:$0x3FDB];
	s0 =	simm.s32 @p2 $0x1  }
0x17: {  	s4 =	simm.s32 $0x1BF5;
	[smem:$0x3FB5] =	sst s0  }
0x18: {  	s0 =	sld [smem:$0x3F98];
	_ =	swait.ge [sflag:s4], $0x0  }
0x19: {  	s7 =	sld [smem:$0x3F99]  }
0x1a: {  	s8 =	sadd.s32 $0xFFFFE003, lr  }
0x1b: {  	s9 =	sadd.s32 $0xFFFFFEF7, lr;
	s5 =	simm.s32 $0xFFFFFFFF;
	p2 =	slt.u32 s8, $0xFFFFF086  }
0x1c: {  	p1 =	slt.u32 s9, $0xF7A;
	s5 =	simm.s32 @!p2 $0x0  }
0x1d: {  	s5 =	simm.s32 @p1 $0x1;
	p0 =	seq.s32 s7, s2  }
0x1e: {  	s7 =	smul.u32 @!p0 $0xF7A, s2;
	p2 =	seq.s32 @!p0 s5, $0x0  }
0x1f: {  	s9 =	smul.u32 $0xF7A, s1;
	s8 =	simm.s32 @!p0 $0x1BF5;
	p2 =	por !p2, p0  }
0x20: {  	[sflag:s8] =	ssyncset.s32 @!p0 $0xFFFFF086;
	s6 =	sadd.s32 @!p0 s3, s7;
	s7 =	simm.s32 @!p0 $0x108  }
0x21: {  	s3 =	sadd.s32 s3, s9;
	s6 =	sadd.s32 @!p0 $0x88, s6;
	s7 =	simm.s32 @p2 $0x1082  }
0x22: {  	[simem:s7], [sflag:s8] =	dma.local @!p0 [hbm:s6], $0xF7A  }
0x23: {  	s9 =	sor.u32 $0xD0000000, s2;
	s6 =	simm.s32 $0x108;
	_ =	swait.ge @!p0 [sflag:s8], $0x0  }
0x24: {  	s3 =	sadd.s32 $0x88, s3;
	s6 =	simm.s32 @!p1 $0x1082;
	[sflag:s4] =	ssyncset.s32 $0xFFFFF086  }
0x25: {  	[simem:s6], [sflag:s4] =	dma.local [hbm:s3], $0xF7A  }
0x26: {  	[smem:$0x3F99] =	sst s1;
	(tag) =	ssettag s2;
	_ =	strace s9  }
0x27: {  	s1 =	sld [smem:$0x3FA9]  }
0x28: {  	s2 =	sld [smem:$0x3FAA]  }
0x29: {  	s4 =	sld [smem:$0x3FAC]  }
0x2a: {  	p0 =	seq.s32 s5, $0x0;
	s5 =	sld [smem:$0x3FAD]  }
0x2b: {  	s6 =	sld [smem:$0x3FAE]  }
0x2c: {  	s7 =	sld [smem:$0x3FAF]  }
0x2d: {  	s3 =	simm.s32 $0x108;
	s8 =	sld [smem:$0x3FB0]  }
0x2e: {  	s3 =	simm.s32 @!p0 $0x1082;
	s9 =	sld [smem:$0x3FB1]  }
0x2f: {  	lr =	sadd.s32 s0, s3;
	s0 =	sld [smem:$0x3FA8]  }
0x30: {  	s3 =	sld [smem:$0x3FAB]  }
0x31: {  	[smem:$0x3FB4] =	sst s10  }
0x32: {  	s10 =	sld [smem:$0x3FB2];
	_ =	sdelay $0x3  }
0x33: {  	p0 =	seq.s32 s10, $0x1;
	s10 =	sld [smem:$0x3FB4];
	_ =	sdelay $0x3  }
0x34: {  	[smem:$0x3FB4] =	sst s10  }
0x35: {  	s10 =	sld [smem:$0x3FB3];
	_ =	sdelay $0x3  }
0x36: {  	p1 =	seq.s32 s10, $0x1;
	s10 =	sld [smem:$0x3FB4];
	_ =	sdelay $0x3  }
0x37: {  	[smem:$0x3FB4] =	sst s10  }
0x38: {  	s10 =	sld [smem:$0x3FB5]  }
0x39: {  	_ = 	snop;
	(pc) =	sbr.ind lr, $3  }
0x3a: {  	_ = 	snop  }
0x3b: {  	_ = 	snop  }
0x3c: {  	p2 =	seq.s32 s10, $0x1;
	s10 =	sld [smem:$0x3FB4]  }
0x3d: {  	_ =	shalt  }
0x3e: {  	_ =	shalt  }
0x3f: {  	_ =	shalt  }
0x40: {  	_ =	shalt  }
0x41: {  	_ =	shalt  }
0x42: {  	_ =	shalt  }
0x43: {  	_ =	shalt  }
0x44: {  	_ =	shalt  }
0x45: {  	_ =	shalt  }
0x46: {  	_ =	shalt  }
0x47: {  	_ =	shalt  }
0x48: {  	_ =	shalt  }
0x49: {  	_ =	shalt  }
0x4a: {  	_ =	shalt  }
0x4b: {  	_ =	shalt  }
0x4c: {  	_ =	shalt  }
0x4d: {  	_ =	shalt  }
0x4e: {  	_ =	shalt  }
0x4f: {  	_ =	shalt  }
0x50: {  	_ =	shalt  }
0x51: {  	_ =	shalt  }
0x52: {  	_ =	shalt  }
0x53: {  	_ =	shalt  }
0x54: {  	_ =	shalt  }
0x55: {  	_ =	shalt  }
0x56: {  	_ =	shalt  }
0x57: {  	_ =	shalt  }
0x58: {  	_ =	shalt  }
0x59: {  	_ =	shalt  }
0x5a: {  	_ =	shalt  }
0x5b: {  	_ =	shalt  }
0x5c: {  	_ =	shalt  }
0x5d: {  	_ =	shalt  }
0x5e: {  	_ =	shalt  }
0x5f: {  	_ =	shalt  }
0x60: {  	_ =	shalt  }
0x61: {  	_ =	shalt  }
0x62: {  	_ =	shalt  }
0x63: {  	_ =	shalt  }
0x64: {  	_ =	shalt  }
0x65: {  	_ =	shalt  }
0x66: {  	_ =	shalt  }
0x67: {  	_ =	shalt  }
0x68: {  	_ =	shalt  }
0x69: {  	_ =	shalt  }
0x6a: {  	_ =	shalt  }
0x6b: {  	_ =	shalt  }
0x6c: {  	_ =	shalt  }
0x6d: {  	_ =	shalt  }
0x6e: {  	_ =	shalt  }
0x6f: {  	_ =	shalt  }
0x70: {  	_ =	shalt  }
0x71: {  	_ =	shalt  }
0x72: {  	_ =	shalt  }
0x73: {  	_ =	shalt  }
0x74: {  	_ =	shalt  }
0x75: {  	_ =	shalt  }
0x76: {  	_ =	shalt  }
0x77: {  	_ =	shalt  }
0x78: {  	_ =	shalt  }
0x79: {  	_ =	shalt  }
0x7a: {  	_ =	shalt  }
0x7b: {  	_ =	shalt  }
0x7c: {  	_ =	shalt  }
0x7d: {  	_ =	shalt  }
0x7e: {  	_ =	shalt  }
0x7f: {  	_ =	shalt  }
0x80: {  	_ =	shalt  }
0x81: {  	_ =	shalt  }
0x82: {  	_ =	shalt  }
0x83: {  	_ =	shalt  }
0x84: {  	_ =	shalt  }
0x85: {  	_ =	shalt  }
0x86: {  	_ =	shalt  }
0x87: {  	_ =	shalt  }
.Lfunc_end0:
.L_simem_size_0:
called_computation_lowered:
.L_overlay_start_0:
0x88: {  	s2 =	sld [smem:$0x3FD9]  }
0x89: {  	s3 =	sld [smem:$0x3FFE];
	_ =	sdelay $0x1  }
0x8a: {  	s1 =	srdreg.scid  }
0x8b: {  	s0 =	sand.u32 $0x1, s1  }
0x8c: {  	s16 =	sshll.u32 s0, $0xA;
	s2 =	sadd.s32 s3, s2  }
0x8d: {  	s2 =	sadd.s32 s2, s16  }
0x8e: {  	[smem:$0x3FC0] =	sst s2  }
0x8f: {  	_ = 	snop  }
0x90: {  	(tm) =	ssettm $0x1  }
0x91: {  	s17 =	sld [smem:$0x3FFB];
	_ =	sdelay $0x3  }
0x92: {  	_ =	strace s17  }
0x93: {  	s2 =	sld [smem:$0x3FFC];
	_ =	sdelay $0x3  }
0x94: {  	_ =	strace s2  }
0x95: {  	s2 =	sld [smem:$0x3FFD];
	_ =	sdelay $0x3  }
0x96: {  	_ =	strace s2  }
0x97: {  	_ =	strace $0x8FFFFFFF  }
0x98: {  	s18 =	sld [smem:$0x3FDB];
	_ =	sdelay $0x1  }
0x99: {  	s19 =	simm.s32 $_scs_section_size  }
0x9a: {  	s4 =	simm.s32 $_size__tile_overlayer_lowered;
	s5 =	simm.s32 $_tile_overlayer_lowered  }
0x9b: {  	s22 =	simm.s32 $0x1BFF;
	s21 =	sshll.u32 s5, $0x1;
	s2 =	sadd.s32 s19, s18  }
0x9c: {  	s6 =	simm.s32 $0x0;
	s20 =	sshll.u32 s4, $0x1;
	s4 =	sadd.s32 s21, s2  }
0x9d: {  	[timem:s6], [sflag:s22] =	dma.local [hbm:s4], s20  }
0x9e: {  	_ =	swait.ge [sflag:s22], s20  }
0x9f: {  	s3 =	ssub.s32 $0x0, s20;
	[sflag:s22] =	ssyncset.done $0x0  }
0xa0: {  	[sflag:s22] =	ssyncadd.s32 s3;
	_ =	sdelay $0x1  }
0xa1: {  	s23 =	simm.s32 $0x1B8B  }
0xa2: {  	_ =	swait.ge [sflag:s23], $0x1  }
0xa3: {  	[sflag:s23] =	ssyncset.done $0x0  }
0xa4: {  	s25 =	simm.s32 $0x1B8E;
	s24 =	sld [smem:$0x3FFE];
	[sflag:s23] =	ssyncadd.s32 $0xFFFFFFFF  }
0xa5: {  	s26 =	simm.s32 $execute0_lowered;
	[smem:$0x3FD2] =	sst s25  }
0xa6: {  	s4 =	sshll.u32 s26, $0x1;
	_ =	strace $0x80000046;
	[dreg:$0x1] =	wrdreg $0xFFFFFFFF  }
0xa7: {  	s28 =	simm.s32 $_size_execute0_lowered;
	s2 =	sadd.s32 s2, s4;
	[dreg:$0x0] =	wrdreg $0x0  }
0xa8: {  	s4 =	sshll.u32 s28, $0x1;
	[dreg:$0x2] =	wrdreg s2  }
0xa9: {  	[dreg:$0x3] =	wrdreg s4  }
0xaa: {  	[dreg:$0x4] =	wrdreg $0xC0  }
0xab: {  	_ =	task [dreg:s6], $0x5FFFF  }
0xac: {  	[dreg:$0x1] =	wrdreg $0xFFFFFFFF  }
0xad: {  	[dreg:$0x0] =	wrdreg $0x60  }
0xae: {  	[dreg:$0x2] =	wrdreg s24  }
0xaf: {  	[dreg:$0x3] =	wrdreg $0x3F800  }
0xb0: {  	[dreg:$0x4] =	wrdreg $0x9  }
0xb1: {  	_ =	task.clear_ibuf [dreg:s6], $0x5FFFF;
	_ =	strace $0x90000046  }
0xb2: {  	s29 =	simm.s32 $0x9;
	_ =	strace $0x80000048  }
0xb3: {  	_ =	swait.ge [sflag:s29], $0x1  }
0xb4: {  	[sflag:s29] =	ssyncadd.s32 $0xFFFFFFFF  }
0xb5: {  	_ =	strace $0x90000048  }
0xb6: {  	_ =	sfence  }
0xb7: {  	s30 =	sld [smem:$0x0];
	_ =	sdelay $0x2  }
0xb8: {  	s31 =	sshll.u32 s1, $0xD;
	s1 =	sshrl.u32 s1, $0x2  }
0xb9: {  	s3 =	sand.u32 $0x4000, s31;
	s1 =	sadd.s32 s1, s30  }
0xba: {  	s0 =	sor.u32 s3, s0;
	s1 =	sshll.u32 s1, $0x11  }
0xbb: {  	s0 =	sor.u32 s1, s0  }
0xbc: {  	s0 =	sadd.s32 $0x8F2B, s0  }
0xbd: {  	[sflag:s0] =	ssyncadd.remote.s32 $0x1  }
0xbe: {  	_ =	sfence.sel $0xFFFF  }
0xbf: {  	[dreg:$0x0] =	wrdreg $0xFFFFFFFF;
	(pc) =	sbr.abs _section_cstart, $3  }
0xc0: {  	[dreg:$0x1] =	wrdreg $0xFFFFFFFF  }
0xc1: {  	_ =	task.clear_ibuf [dreg:s6], $0x2FFFF;
	_ =	strace $0x9FFFFFFF  }
0xc2: {  	(tm) =	ssettm $0x7FFFFFFF  }
0xc3: {  	_ =	shalt  }
tec
execute0_lowered:
.L_overlay_start_1:
0x0: {  	(tag) =	ssettag $0x1  }
0x1: {  	s0 =	srdreg.scid;
	s4 =	rddreg [dreg:$0x0]  }
0x2: {  	s5 =	stileid.u32;
	s1 =	rddreg [dreg:$0x1];
	s2 =	simm.s32 $0x0  }
0x3: {  	s11 =	simm.s32 $0x800;
	s10 =	simm.s32 $0x7D0;
	s3 =	sand.u32 $0x1, s0  }
0x4: {  	s0 =	sshll.u32 s3, $0x4;
	s7 =	smul.u32 $0x4E2, s3;
	s3 =	ssub.s32 $0x2, s3  }
0x5: {  	s13 =	simm.s32 $0x2;
	p1 =	por $0x0, $0x0;
	s8 =	sshrl.u32 s3, $0x1  }
0x6: {  	[smem:$0x7FF] =	sst s2;
	s18 =	sadd.s32 $0xC200, s4;
	s30 =	ssub.s32 s3, s8  }
0x7: {  	s17 =	sadd.s32 $0xC800, s4;
	s6 =	sor.u32 s5, s0;
	s31 =	smax.u32 s30, $0x1  }
0x8: {  	p0 =	sne.s32 s5, $0x0;
	s6 =	smul.u32 $0x2710, s6;
	s20 =	sadd.s32 $0xFFFFFFFF, s31  }
0x9: {  	s0 =	rddreg [dreg:$0x2];
	_ =	strace $0x80000047;
	p2 =	sne.s32 s20, $0x0  }
.Ltmp0:
0xa: {  	s5 =	simm.s32 $0x3;
	s6 =	sshrl.u32 s6, $0x3;
	(pc) =	sbr.rel @!p2 .LBB2_1-.Ltmp0, $4  }
0xb: {  	s8 =	simm.s32 $0x1;
	s6 =	sadd.s32 s6, s4;
	s4 =	sadd.s32 s7, s4  }
0xc: {  	s7 =	simm.s32 @!p0 $0x0;
	s16 =	sadd.s32 $0x2400, s6;
	s15 =	sadd.s32 $0x24FA, s6  }
0xd: {  	s14 =	sadd.s32 $0x25F4, s6;
	s12 =	sadd.s32 $0x26EE, s6;
	s9 =	sadd.s32 $0x27E8, s6  }
0xe: {  	s3 =	sadd.s32 $0xCA00, s4;
	s6 =	simm.s32 $0x1000;
	s4 =	simm.s32 @!p0 $0x3  }
0xf: {  	s19 =	simm.s32 @!p0 $0x1800  }
0x10: {  	[tilespmem:s19], [sflag:$0x3] =	stream.linear.gather @!p0 [hbm4b:s18+s7], $0x2780, $0x38;
	[tilespmem:$0x41F8] =	vst v63  }
0x11: {  	_ =	swait.ge @!p0 [sflag:s4], $0x2780  }
0x12: {  	[sflag:s4] =	ssyncset.done @!p0 $0x0  }
0x13: {  	[sflag:s4] =	ssyncadd.s32 @!p0 $0xFFFFD880  }
0x14: {  	[spmem:s1] =	stream.linear.scatter @!p0 [tilespmem:s19], [sflag:$0x3], $0x2780, $0x38;
	[tilespmem:$0x41F8] =	vst v63  }
0x15: {  	_ =	swait.ge @!p0 [sflag:s4], $0x2780  }
0x16: {  	[sflag:s4] =	ssyncset.done @!p0 $0x0  }
0x17: {  	[sflag:s4] =	ssyncadd.s32 @!p0 $0xFFFFD880  }
0x18: {  	[tilespmem:s6], [sflag:$0x3] =	stream.linear.gather [hbm4b:s17+s2], $0x800, $0x38;
	[tilespmem:$0x41F8] =	vst v63  }
0x19: {  	_ =	swait.ge [sflag:s5], $0x800  }
0x1a: {  	[sflag:s5] =	ssyncset.done $0x0  }
0x1b: {  	[sflag:s5] =	ssyncadd.s32 $0xFFFFF800  }
0x1c: {  	[bflag:$0x0] =	sbarrier.arrive $0xFFFF  }
0x1d: {  	[tilespmem:s2], [sflag:$0x1] =	stream.linear.gather [hbm4b:s16+s2], $0x7D0, $0x38;
	[tilespmem:$0x41F8] =	vst v63  }
0x1e: {  	_ =	swait.ge [sflag:s8], $0x7D0  }
0x1f: {  	[sflag:s8] =	ssyncset.done $0x0  }
0x20: {  	[sflag:s8] =	ssyncadd.s32 $0xFFFFF830  }
0x21: {  	[tilespmem:s11], [sflag:$0x2] =	stream.linear.gather [hbm4b:s15+s2], $0x7D0, $0x38;
	[tilespmem:$0x41F8] =	vst v63  }
0x22: {  	_ = 	snop  }
0x23: {  	[spmem:s1] =	stream.indirect.scatter.add.f32 [tilespmem:s6], [sflag:$0x3], $0x1, s2, s10, $0xb8;
	[tilespmem:$0x41F8] =	vst v63  }
0x24: {  	_ =	swait.ge [sflag:s5], $0x7D0  }
0x25: {  	[sflag:s5] =	ssyncset.done $0x0  }
0x26: {  	[sflag:s5] =	ssyncadd.s32 $0xFFFFF830  }
0x27: {  	_ =	swait.ge [sflag:s13], $0x7D0  }
0x28: {  	[sflag:s13] =	ssyncset.done $0x0  }
0x29: {  	[sflag:s13] =	ssyncadd.s32 $0xFFFFF830  }
0x2a: {  	[tilespmem:s2], [sflag:$0x1] =	stream.linear.gather [hbm4b:s14+s2], $0x7D0, $0x38;
	[tilespmem:$0x41F8] =	vst v63  }
0x2b: {  	_ = 	snop  }
0x2c: {  	[spmem:s1] =	stream.indirect.scatter.add.f32 [tilespmem:s6], [sflag:$0x3], $0x1, s11, s10, $0xb8;
	[tilespmem:$0x41F8] =	vst v63  }
0x2d: {  	_ =	swait.ge [sflag:s5], $0x7D0  }
0x2e: {  	[sflag:s5] =	ssyncset.done $0x0  }
0x2f: {  	[sflag:s5] =	ssyncadd.s32 $0xFFFFF830  }
0x30: {  	_ =	swait.ge [sflag:s8], $0x7D0  }
0x31: {  	[sflag:s8] =	ssyncset.done $0x0  }
0x32: {  	[sflag:s8] =	ssyncadd.s32 $0xFFFFF830  }
0x33: {  	[tilespmem:s11], [sflag:$0x2] =	stream.linear.gather [hbm4b:s12+s2], $0x7D0, $0x38;
	[tilespmem:$0x41F8] =	vst v63  }
0x34: {  	_ = 	snop  }
0x35: {  	[spmem:s1] =	stream.indirect.scatter.add.f32 [tilespmem:s6], [sflag:$0x3], $0x1, s2, s10, $0xb8;
	[tilespmem:$0x41F8] =	vst v63  }
0x36: {  	_ =	swait.ge [sflag:s5], $0x7D0  }
0x37: {  	[sflag:s5] =	ssyncset.done $0x0  }
0x38: {  	[sflag:s5] =	ssyncadd.s32 $0xFFFFF830  }
0x39: {  	_ =	swait.ge [sflag:s13], $0x7D0  }
0x3a: {  	[sflag:s13] =	ssyncset.done $0x0  }
0x3b: {  	[sflag:s13] =	ssyncadd.s32 $0xFFFFF830  }
0x3c: {  	[tilespmem:s2], [sflag:$0x1] =	stream.linear.gather [hbm4b:s9+s2], $0x7D0, $0x38;
	[tilespmem:$0x41F8] =	vst v63  }
0x3d: {  	_ = 	snop  }
0x3e: {  	[spmem:s1] =	stream.indirect.scatter.add.f32 [tilespmem:s6], [sflag:$0x3], $0x1, s11, s10, $0xb8;
	[tilespmem:$0x41F8] =	vst v63  }
0x3f: {  	_ =	swait.ge [sflag:s5], $0x7D0  }
0x40: {  	[sflag:s5] =	ssyncset.done $0x0  }
0x41: {  	[sflag:s5] =	ssyncadd.s32 $0xFFFFF830  }
0x42: {  	_ =	swait.ge [sflag:s8], $0x7D0  }
0x43: {  	[sflag:s8] =	ssyncset.done $0x0  }
0x44: {  	[sflag:s8] =	ssyncadd.s32 $0xFFFFF830  }
0x45: {  	[spmem:s1] =	stream.indirect.scatter.add.f32 [tilespmem:s6], [sflag:$0x3], $0x1, s2, s10, $0xb8;
	[tilespmem:$0x41F8] =	vst v63  }
0x46: {  	_ =	swait.ge [sflag:s5], $0x7D0  }
0x47: {  	[sflag:s5] =	ssyncset.done $0x0  }
0x48: {  	[sflag:s5] =	ssyncadd.s32 $0xFFFFF830  }
0x49: {  	s20 =	sadd.s32 $0xFFFFFFFF, s20;
	[bflag:$0x0] =	sbarrier.arrive $0xFFFF  }
0x4a: {  	[tilespmem:s19], [sflag:$0x3] =	stream.linear.gather @!p0 [spmem:s1], $0x2780, $0x38;
	[tilespmem:$0x41F8] =	vst v63  }
0x4b: {  	p2 =	sne.s32 s20, $0x0;
	_ =	swait.ge @!p0 [sflag:s4], $0x2780  }
.Ltmp1:
0x4c: {  	[sflag:s4] =	ssyncset.done @!p0 $0x0;
	(pc) =	sbr.rel @!p2 .LBB2_3-.Ltmp1, $4  }
0x4d: {  	[sflag:s4] =	ssyncadd.s32 @!p0 $0xFFFFD880  }
0x4e: {  	[hbm4b:s3+s7] =	stream.linear.scatter @!p0 [tilespmem:s19], [sflag:$0x3], $0x2710, $0x38;
	[tilespmem:$0x41F8] =	vst v63  }
0x4f: {  	_ =	swait.ge @!p0 [sflag:s4], $0x2710  }
0x50: {  	p1 =	por $0x1, $0x1;
	s21 =	simm.s32 @!p0 $0x3;
	[sflag:s4] =	ssyncset.done @!p0 $0x0  }
.LBB2_4:
0x51: {  	s22 =	simm.s32 @!p0 $0x0;
	[sflag:s21] =	ssyncadd.s32 @!p0 $0xFFFFD8F0  }
0x52: {  	[tilespmem:s19], [sflag:$0x3] =	stream.linear.gather @!p0 [hbm4b:s18+s7], $0x2780, $0x38;
	[tilespmem:$0x41F8] =	vst v63  }
0x53: {  	s20 =	sadd.s32 $0xFFFFFFFF, s20;
	s21 =	smov.u32 s4;
	_ =	swait.ge @!p0 [sflag:s4], $0x2780  }
0x54: {  	p2 =	sne.s32 s20, $0x0;
	[sflag:s21] =	ssyncset.done @!p0 $0x0  }
0x55: {  	[sflag:s21] =	ssyncadd.s32 @!p0 $0xFFFFD880  }
0x56: {  	[spmem:s1] =	stream.linear.scatter @!p0 [tilespmem:s19], [sflag:$0x3], $0x2780, $0x38;
	[tilespmem:$0x41F8] =	vst v63  }
0x57: {  	_ =	swait.ge @!p0 [sflag:s21], $0x2780  }
0x58: {  	[sflag:s21] =	ssyncset.done @!p0 $0x0  }
0x59: {  	[sflag:s21] =	ssyncadd.s32 @!p0 $0xFFFFD880  }
0x5a: {  	[tilespmem:s6], [sflag:$0x3] =	stream.linear.gather [hbm4b:s17+s2], $0x800, $0x38;
	[tilespmem:$0x41F8] =	vst v63  }
0x5b: {  	_ =	swait.ge [sflag:s5], $0x800  }
0x5c: {  	[sflag:s5] =	ssyncset.done $0x0  }
0x5d: {  	[sflag:s5] =	ssyncadd.s32 $0xFFFFF800  }
0x5e: {  	[bflag:$0x0] =	sbarrier.arrive $0xFFFF  }
0x5f: {  	[tilespmem:s2], [sflag:$0x1] =	stream.linear.gather [hbm4b:s16+s2], $0x7D0, $0x38;
	[tilespmem:$0x41F8] =	vst v63  }
0x60: {  	_ =	swait.ge [sflag:s8], $0x7D0  }
0x61: {  	[sflag:s8] =	ssyncset.done $0x0  }
0x62: {  	[sflag:s8] =	ssyncadd.s32 $0xFFFFF830  }
0x63: {  	[tilespmem:s11], [sflag:$0x2] =	stream.linear.gather [hbm4b:s15+s2], $0x7D0, $0x38;
	[tilespmem:$0x41F8] =	vst v63  }
0x64: {  	_ = 	snop  }
0x65: {  	[spmem:s1] =	stream.indirect.scatter.add.f32 [tilespmem:s6], [sflag:$0x3], $0x1, s2, s10, $0xb8;
	[tilespmem:$0x41F8] =	vst v63  }
0x66: {  	_ =	swait.ge [sflag:s5], $0x7D0  }
0x67: {  	[sflag:s5] =	ssyncset.done $0x0  }
0x68: {  	[sflag:s5] =	ssyncadd.s32 $0xFFFFF830  }
0x69: {  	_ =	swait.ge [sflag:s13], $0x7D0  }
0x6a: {  	[sflag:s13] =	ssyncset.done $0x0  }
0x6b: {  	[sflag:s13] =	ssyncadd.s32 $0xFFFFF830  }
0x6c: {  	[tilespmem:s2], [sflag:$0x1] =	stream.linear.gather [hbm4b:s14+s2], $0x7D0, $0x38;
	[tilespmem:$0x41F8] =	vst v63  }
0x6d: {  	_ = 	snop  }
0x6e: {  	[spmem:s1] =	stream.indirect.scatter.add.f32 [tilespmem:s6], [sflag:$0x3], $0x1, s11, s10, $0xb8;
	[tilespmem:$0x41F8] =	vst v63  }
0x6f: {  	_ =	swait.ge [sflag:s5], $0x7D0  }
0x70: {  	[sflag:s5] =	ssyncset.done $0x0  }
0x71: {  	[sflag:s5] =	ssyncadd.s32 $0xFFFFF830  }
0x72: {  	_ =	swait.ge [sflag:s8], $0x7D0  }
0x73: {  	[sflag:s8] =	ssyncset.done $0x0  }
0x74: {  	[sflag:s8] =	ssyncadd.s32 $0xFFFFF830  }
0x75: {  	[tilespmem:s11], [sflag:$0x2] =	stream.linear.gather [hbm4b:s12+s2], $0x7D0, $0x38;
	[tilespmem:$0x41F8] =	vst v63  }
0x76: {  	_ = 	snop  }
0x77: {  	[spmem:s1] =	stream.indirect.scatter.add.f32 [tilespmem:s6], [sflag:$0x3], $0x1, s2, s10, $0xb8;
	[tilespmem:$0x41F8] =	vst v63  }
0x78: {  	_ =	swait.ge [sflag:s5], $0x7D0  }
0x79: {  	[sflag:s5] =	ssyncset.done $0x0  }
0x7a: {  	[sflag:s5] =	ssyncadd.s32 $0xFFFFF830  }
0x7b: {  	_ =	swait.ge [sflag:s13], $0x7D0  }
0x7c: {  	[sflag:s13] =	ssyncset.done $0x0  }
0x7d: {  	[sflag:s13] =	ssyncadd.s32 $0xFFFFF830  }
0x7e: {  	[tilespmem:s2], [sflag:$0x1] =	stream.linear.gather [hbm4b:s9+s2], $0x7D0, $0x38;
	[tilespmem:$0x41F8] =	vst v63  }
0x7f: {  	_ = 	snop  }
0x80: {  	[spmem:s1] =	stream.indirect.scatter.add.f32 [tilespmem:s6], [sflag:$0x3], $0x1, s11, s10, $0xb8;
	[tilespmem:$0x41F8] =	vst v63  }
0x81: {  	_ =	swait.ge [sflag:s5], $0x7D0  }
0x82: {  	[sflag:s5] =	ssyncset.done $0x0  }
0x83: {  	[sflag:s5] =	ssyncadd.s32 $0xFFFFF830  }
0x84: {  	_ =	swait.ge [sflag:s8], $0x7D0  }
0x85: {  	[sflag:s8] =	ssyncset.done $0x0  }
0x86: {  	[sflag:s8] =	ssyncadd.s32 $0xFFFFF830  }
0x87: {  	[spmem:s1] =	stream.indirect.scatter.add.f32 [tilespmem:s6], [sflag:$0x3], $0x1, s2, s10, $0xb8;
	[tilespmem:$0x41F8] =	vst v63  }
0x88: {  	_ =	swait.ge [sflag:s5], $0x7D0  }
0x89: {  	[sflag:s5] =	ssyncset.done $0x0  }
0x8a: {  	[sflag:s5] =	ssyncadd.s32 $0xFFFFF830  }
0x8b: {  	[bflag:$0x0] =	sbarrier.arrive $0xFFFF  }
0x8c: {  	[tilespmem:s19], [sflag:$0x3] =	stream.linear.gather @!p0 [spmem:s1], $0x2780, $0x38;
	[tilespmem:$0x41F8] =	vst v63  }
0x8d: {  	_ =	swait.ge @!p0 [sflag:s21], $0x2780  }
.Ltmp2:
0x8e: {  	[sflag:s21] =	ssyncset.done @!p0 $0x0;
	(pc) =	sbr.rel @p2 .LBB2_4-.Ltmp2, $4  }
0x8f: {  	[sflag:s21] =	ssyncadd.s32 @!p0 $0xFFFFD880  }
0x90: {  	[hbm4b:s3+s7] =	stream.linear.scatter @!p0 [tilespmem:s19], [sflag:$0x3], $0x2710, $0x38;
	[tilespmem:$0x41F8] =	vst v63  }
0x91: {  	s7 =	smov.u32 s22;
	_ =	swait.ge @!p0 [sflag:s21], $0x2710  }
0x92: {  	[sflag:s21] =	ssyncset.done @!p0 $0x0  }
.LBB2_5:
0x93: {  	p1 =	por p0, !p1  }
0x94: {  	s19 =	simm.s32 @!p0 $0x1800;
	[sflag:s21] =	ssyncadd.s32 @!p1 $0xFFFFD8F0  }
0x95: {  	[tilespmem:s19], [sflag:$0x3] =	stream.linear.gather @!p0 [hbm4b:s18+s7], $0x2780, $0x38;
	[tilespmem:$0x41F8] =	vst v63  }
0x96: {  	_ =	swait.ge @!p0 [sflag:s4], $0x2780  }
0x97: {  	[sflag:s4] =	ssyncset.done @!p0 $0x0  }
0x98: {  	[sflag:s4] =	ssyncadd.s32 @!p0 $0xFFFFD880  }
0x99: {  	[spmem:s1] =	stream.linear.scatter @!p0 [tilespmem:s19], [sflag:$0x3], $0x2780, $0x38;
	[tilespmem:$0x41F8] =	vst v63  }
0x9a: {  	_ =	swait.ge @!p0 [sflag:s4], $0x2780  }
0x9b: {  	[sflag:s4] =	ssyncset.done @!p0 $0x0  }
0x9c: {  	[sflag:s4] =	ssyncadd.s32 @!p0 $0xFFFFD880  }
0x9d: {  	[tilespmem:s6], [sflag:$0x3] =	stream.linear.gather [hbm4b:s17+s2], $0x800, $0x38;
	[tilespmem:$0x41F8] =	vst v63  }
0x9e: {  	_ =	swait.ge [sflag:s5], $0x800  }
0x9f: {  	[sflag:s5] =	ssyncset.done $0x0  }
0xa0: {  	[sflag:s5] =	ssyncadd.s32 $0xFFFFF800  }
0xa1: {  	[bflag:$0x0] =	sbarrier.arrive $0xFFFF  }
0xa2: {  	[tilespmem:s2], [sflag:$0x1] =	stream.linear.gather [hbm4b:s16+s2], $0x7D0, $0x38;
	[tilespmem:$0x41F8] =	vst v63  }
0xa3: {  	_ =	swait.ge [sflag:s8], $0x7D0  }
0xa4: {  	[sflag:s8] =	ssyncset.done $0x0  }
0xa5: {  	[sflag:s8] =	ssyncadd.s32 $0xFFFFF830  }
0xa6: {  	[tilespmem:s11], [sflag:$0x2] =	stream.linear.gather [hbm4b:s15+s2], $0x7D0, $0x38;
	[tilespmem:$0x41F8] =	vst v63  }
0xa7: {  	_ = 	snop  }
0xa8: {  	[spmem:s1] =	stream.indirect.scatter.add.f32 [tilespmem:s6], [sflag:$0x3], $0x1, s2, s10, $0xb8;
	[tilespmem:$0x41F8] =	vst v63  }
0xa9: {  	_ =	swait.ge [sflag:s5], $0x7D0  }
0xaa: {  	[sflag:s5] =	ssyncset.done $0x0  }
0xab: {  	[sflag:s5] =	ssyncadd.s32 $0xFFFFF830  }
0xac: {  	_ =	swait.ge [sflag:s13], $0x7D0  }
0xad: {  	[sflag:s13] =	ssyncset.done $0x0  }
0xae: {  	[sflag:s13] =	ssyncadd.s32 $0xFFFFF830  }
0xaf: {  	[tilespmem:s2], [sflag:$0x1] =	stream.linear.gather [hbm4b:s14+s2], $0x7D0, $0x38;
	[tilespmem:$0x41F8] =	vst v63  }
0xb0: {  	_ = 	snop  }
0xb1: {  	[spmem:s1] =	stream.indirect.scatter.add.f32 [tilespmem:s6], [sflag:$0x3], $0x1, s11, s10, $0xb8;
	[tilespmem:$0x41F8] =	vst v63  }
0xb2: {  	_ =	swait.ge [sflag:s5], $0x7D0  }
0xb3: {  	[sflag:s5] =	ssyncset.done $0x0  }
0xb4: {  	[sflag:s5] =	ssyncadd.s32 $0xFFFFF830  }
0xb5: {  	_ =	swait.ge [sflag:s8], $0x7D0  }
0xb6: {  	[sflag:s8] =	ssyncset.done $0x0  }
0xb7: {  	[sflag:s8] =	ssyncadd.s32 $0xFFFFF830  }
0xb8: {  	[tilespmem:s11], [sflag:$0x2] =	stream.linear.gather [hbm4b:s12+s2], $0x7D0, $0x38;
	[tilespmem:$0x41F8] =	vst v63  }
0xb9: {  	_ = 	snop  }
0xba: {  	[spmem:s1] =	stream.indirect.scatter.add.f32 [tilespmem:s6], [sflag:$0x3], $0x1, s2, s10, $0xb8;
	[tilespmem:$0x41F8] =	vst v63  }
0xbb: {  	_ =	swait.ge [sflag:s5], $0x7D0  }
0xbc: {  	[sflag:s5] =	ssyncset.done $0x0  }
0xbd: {  	[sflag:s5] =	ssyncadd.s32 $0xFFFFF830  }
0xbe: {  	_ =	swait.ge [sflag:s13], $0x7D0  }
0xbf: {  	[sflag:s13] =	ssyncset.done $0x0  }
0xc0: {  	[sflag:s13] =	ssyncadd.s32 $0xFFFFF830  }
0xc1: {  	[tilespmem:s2], [sflag:$0x1] =	stream.linear.gather [hbm4b:s9+s2], $0x7D0, $0x38;
	[tilespmem:$0x41F8] =	vst v63  }
0xc2: {  	_ = 	snop  }
0xc3: {  	[spmem:s1] =	stream.indirect.scatter.add.f32 [tilespmem:s6], [sflag:$0x3], $0x1, s11, s10, $0xb8;
	[tilespmem:$0x41F8] =	vst v63  }
0xc4: {  	_ =	swait.ge [sflag:s5], $0x7D0  }
0xc5: {  	[sflag:s5] =	ssyncset.done $0x0  }
0xc6: {  	[sflag:s5] =	ssyncadd.s32 $0xFFFFF830  }
0xc7: {  	_ =	swait.ge [sflag:s8], $0x7D0  }
0xc8: {  	[sflag:s8] =	ssyncset.done $0x0  }
0xc9: {  	[sflag:s8] =	ssyncadd.s32 $0xFFFFF830  }
0xca: {  	[spmem:s1] =	stream.indirect.scatter.add.f32 [tilespmem:s6], [sflag:$0x3], $0x1, s2, s10, $0xb8;
	[tilespmem:$0x41F8] =	vst v63  }
0xcb: {  	_ =	swait.ge [sflag:s5], $0x7D0  }
0xcc: {  	[sflag:s5] =	ssyncset.done $0x0  }
0xcd: {  	[sflag:s5] =	ssyncadd.s32 $0xFFFFF830  }
0xce: {  	[bflag:$0x0] =	sbarrier.arrive $0xFFFF  }
0xcf: {  	[tilespmem:s19], [sflag:$0x3] =	stream.linear.gather @!p0 [spmem:s1], $0x2780, $0x38;
	[tilespmem:$0x41F8] =	vst v63  }
0xd0: {  	_ =	swait.ge @!p0 [sflag:s4], $0x2780  }
0xd1: {  	[sflag:s4] =	ssyncset.done @!p0 $0x0  }
0xd2: {  	[sflag:s4] =	ssyncadd.s32 @!p0 $0xFFFFD880  }
0xd3: {  	[hbm4b:s3+s7] =	stream.linear.scatter @!p0 [tilespmem:s19], [sflag:$0x3], $0x2710, $0x38;
	[tilespmem:$0x41F8] =	vst v63  }
0xd4: {  	_ =	swait.ge @!p0 [sflag:s4], $0x2710  }
0xd5: {  	[sflag:s4] =	ssyncset.done @!p0 $0x0  }
0xd6: {  	[sflag:s4] =	ssyncadd.s32 @!p0 $0xFFFFD8F0  }
0xd7: {  	_ =	sfence.sel $0x180000  }
0xd8: {  	[bflag:$0x0] =	sbarrier.arrive $0xFFFF  }
0xd9: {  	_ =	strace $0x90000047  }
0xda: {  	s0 =	sadd.s32 @!p0 $0x100000, s0;
	[bflag:$0x2] =	sbarrier.arrive $0xFFFF  }
0xdb: {  	[sflag:s0] =	ssyncadd.tile.s32 @!p0 $0x1;
	_ =	shalt  }
.LBB2_1:
.Ltmp3:
0xdc: {  	(pc) =	sbr.rel .LBB2_5-.Ltmp3, $2  }
0xdd: {  	_ =	sdelay $0x2  }
0xde: {  	_ = 	snop  }
.LBB2_3:
.Ltmp4:
0xdf: {  	(pc) =	sbr.rel .LBB2_5-.Ltmp4, $2  }
0xe0: {  	_ =	sdelay $0x2  }
0xe1: {  	s21 =	simm.s32 @!p0 $0x3  }
.Lfunc_end2:
_tile_overlayer_lowered:
.L_overlay_start_2:
0xe2: {  	(tag) =	ssettag $0x2  }
0xe3: {  	s0 =	rddreg [dreg:$0x0];
	s2 =	stileid.u32  }
0xe4: {  	s1 =	rddreg [dreg:$0x1];
	p0 =	sne.s32 s2, $0x0  }
0xe5: {  	s3 =	rddreg [dreg:$0x2];
	[bflag:$0x3] =	sbarrier.arrive $0xFFFF;
	s2 =	simm.s32 @!p0 $0x1C03  }
0xe6: {  	[timem:s3], [sflag:s2] =	dma.local @!p0 [hbm:s0], s1  }
0xe7: {  	s0 =	simm.s32 @!p0 $0x3  }
0xe8: {  	_ =	swait.ge @!p0 [sflag:s0], s1  }
0xe9: {  	s1 =	ssub.s32 @!p0 $0x0, s1;
	[sflag:s0] =	ssyncset.done @!p0 $0x0  }
0xea: {  	[sflag:s0] =	ssyncadd.s32 @!p0 s1  }
0xeb: {  	[bflag:$0x3] =	sbarrier.arrive $0xFFFF  }
0xec: {  	_ =	shalt  }

</sc_bundles>
